<compile_context>
chip_gen: v7x
topology: tpu7x:2x2x1
jax: 0.10.2.dev20260603
libtpu: 0.0.44.dev20260713+nightly
codegen_flags: <defaults>
</compile_context>

<pallas_src>
import jax
import jax.numpy as jnp
from jax import lax
from jax.experimental import pallas as pl
from jax.experimental.pallas import tpu as pltpu
from jax.experimental.pallas import tpu_sc as plsc

N_NODES = 10000
N_EDGES = 320000
NODE_DIM = 128
EDGE_DIM = 16
HIDDEN = 128
N_PAD = N_NODES + 16

NC = 2
NS = 16
NW = NC * NS
CHUNK = 80
K = -(-N_EDGES // (NW * CHUNK))
E_PAD = NW * K * CHUNK

F32 = jnp.float32


def _prep_body(Wm1, We, be, bm1, Wm2, Wu1, bm2,
               We2_o, bias1_o, Wcombo_o, bcombo_o):
    Wm1_bot = Wm1[HIDDEN:, :]
    Wu1_bot = Wu1[NODE_DIM:, :]
    We2_o[...] = jnp.dot(We[...], Wm1_bot, preferred_element_type=F32)
    bias1_o[...] = bm1[...] + jnp.dot(be[...], Wm1_bot,
                                      preferred_element_type=F32)
    Wcombo_o[...] = jnp.dot(Wm2[...], Wu1_bot, preferred_element_type=F32)
    bcombo_o[...] = jnp.dot(bm2[...], Wu1_bot, preferred_element_type=F32)


def _hm_body(nf, Wn, bn, Wm1, bias1, hm_o):
    h = jnp.dot(nf[...], Wn[...], preferred_element_type=F32) + bn[...]
    hm_o[...] = jnp.dot(h, Wm1[:HIDDEN, :],
                        preferred_element_type=F32) + bias1[...]


def _edge_body(g, ef, We2, xt_o):
    xt_o[...] = jnp.maximum(
        g[...] + jnp.dot(ef[...], We2[...], preferred_element_type=F32), 0.0)


def _degterm_body(degs, bcombo, dt_o):
    bb = jnp.broadcast_to(bcombo[...], (NW, HIDDEN))
    dt_o[...] = lax.dot_general(degs[...], bb, (((0,), (0,)), ((), ())),
                                preferred_element_type=F32)


def _post_body(nf, agg2, degterm, Wu1, bu1, Wcombo, Wu2, bu2, out_o):
    aggs = agg2[0] + agg2[1]
    pre = (jnp.dot(nf[...], Wu1[:NODE_DIM, :], preferred_element_type=F32)
           + jnp.dot(aggs, Wcombo[...], preferred_element_type=F32)
           + degterm[...] + bu1[...])
    out_o[...] = jnp.dot(jnp.maximum(pre, 0.0), Wu2[...],
                         preferred_element_type=F32) + bu2[...]


def _gather_body(hm_hbm, idx_hbm, g_hbm, idx_v, buf0, buf1, buf2,
                 gsem0, gsem1, gsem2, wsem0, wsem1, wsem2, hm_sh):
    sid = lax.axis_index("s")
    wid = sid * NC + lax.axis_index("c")

    @pl.when(sid == 0)
    def _():
        pltpu.sync_copy(hm_hbm, hm_sh)

    plsc.subcore_barrier()
    pltpu.sync_copy(idx_hbm.at[wid], idx_v)
    base = wid * (K * CHUNK)
    bufs = (buf0, buf1, buf2)
    gsems = (gsem0, gsem1, gsem2)
    wsems = (wsem0, wsem1, wsem2)

    def out_slice(j):
        return g_hbm.at[pl.ds(base + j * CHUNK, CHUNK)]

    pltpu.async_copy(hm_sh.at[idx_v.at[0]], buf0, gsem0)

    def body(jj, carry):
        for t in range(3):
            j = jj * 3 + t
            b = t

            @pl.when(j < K)
            def _():
                pltpu.make_async_copy(
                    hm_sh.at[idx_v.at[j]], bufs[b], gsems[b]).wait()

                nb = (b + 1) % 3

                @pl.when(j + 1 < K)
                def _():
                    @pl.when(j >= 2)
                    def _():
                        pltpu.make_async_copy(
                            bufs[nb], out_slice(j - 2), wsems[nb]).wait()

                    pltpu.async_copy(
                        hm_sh.at[idx_v.at[j + 1]], bufs[nb], gsems[nb])

                pltpu.async_copy(bufs[b], out_slice(j), wsems[b])

        return carry

    lax.fori_loop(0, (K + 2) // 3, body, 0)
    for dd in (3, 2, 1):
        j = K - dd
        pltpu.make_async_copy(bufs[j % 3], out_slice(j), wsems[j % 3]).wait()


def _scatter_body(xt_hbm, idx_hbm, zero_hbm, agg_hbm, degs_hbm,
                  idx_v, buf0, buf1, deg_v, sem0, sem1, ssem0, ssem1,
                  acc_sh):
    cid = lax.axis_index("c")
    sid = lax.axis_index("s")
    wid = sid * NC + cid

    @pl.when(sid == 0)
    def _():
        pltpu.sync_copy(zero_hbm, acc_sh)

    zvec = jnp.zeros((16,), F32)

    def zbody(i, carry):
        deg_v[pl.ds(i * 16, 16)] = zvec
        return carry

    lax.fori_loop(0, N_PAD // 16, zbody, 0)

    plsc.subcore_barrier()
    pltpu.sync_copy(idx_hbm.at[wid], idx_v)
    base = wid * (K * CHUNK)
    bufs = (buf0, buf1)
    sems = (sem0, sem1)
    ssems = (ssem0, ssem1)
    ones = jnp.ones((16,), F32)

    pltpu.async_copy(xt_hbm.at[pl.ds(base, CHUNK)], buf0, sem0)

    def body(jj, carry):
        for t in range(2):
            j = jj * 2 + t
            b = t

            @pl.when(j < K)
            def _():
                pltpu.make_async_copy(
                    xt_hbm.at[pl.ds(base + j * CHUNK, CHUNK)],
                    bufs[b], sems[b]).wait()

                @pl.when(j + 1 < K)
                def _():
                    @pl.when(j >= 1)
                    def _():
                        pltpu.make_async_copy(
                            bufs[1 - b], acc_sh.at[idx_v.at[j - 1]],
                            ssems[1 - b]).wait()

                    pltpu.async_copy(
                        xt_hbm.at[pl.ds(base + (j + 1) * CHUNK, CHUNK)],
                        bufs[1 - b], sems[1 - b])

                pltpu.async_copy(bufs[b], acc_sh.at[idx_v.at[j]],
                                 ssems[b], add=True)

                for q in range(CHUNK // 16):
                    dvec = idx_v[j, pl.ds(q * 16, 16)]
                    plsc.addupdate_scatter(deg_v, [dvec], ones)

        return carry

    lax.fori_loop(0, (K + 1) // 2, body, 0)
    pltpu.make_async_copy(bufs[(K - 2) % 2], acc_sh.at[idx_v.at[K - 2]],
                          ssems[(K - 2) % 2]).wait()
    pltpu.make_async_copy(bufs[(K - 1) % 2], acc_sh.at[idx_v.at[K - 1]],
                          ssems[(K - 1) % 2]).wait()
    plsc.subcore_barrier()

    @pl.when(sid == 0)
    def _():
        pltpu.sync_copy(acc_sh, agg_hbm.at[cid])

    pltpu.sync_copy(deg_v, degs_hbm.at[wid])


def kernel(node_feats, edge_idx, edge_feats, Wn, bn, We, be,
           Wm1, bm1, Wm2, bm2, Wu1, bu1, Wu2, bu2):
    bn2 = bn.reshape(1, HIDDEN)
    be2 = be.reshape(1, HIDDEN)
    bm12 = bm1.reshape(1, HIDDEN)
    bm22 = bm2.reshape(1, HIDDEN)
    bu12 = bu1.reshape(1, HIDDEN)
    bu22 = bu2.reshape(1, HIDDEN)

    We2, bias1, Wcombo, bcombo = pl.pallas_call(
        _prep_body,
        out_shape=[
            jax.ShapeDtypeStruct((EDGE_DIM, HIDDEN), F32),
            jax.ShapeDtypeStruct((1, HIDDEN), F32),
            jax.ShapeDtypeStruct((HIDDEN, HIDDEN), F32),
            jax.ShapeDtypeStruct((1, HIDDEN), F32),
        ],
    )(Wm1, We, be2, bm12, Wm2, Wu1, bm22)

    BLK_N = 1000
    hm = pl.pallas_call(
        _hm_body,
        grid=(N_NODES // BLK_N,),
        in_specs=[
            pl.BlockSpec((BLK_N, NODE_DIM), lambda i: (i, 0)),
            pl.BlockSpec((NODE_DIM, HIDDEN), lambda i: (0, 0)),
            pl.BlockSpec((1, HIDDEN), lambda i: (0, 0)),
            pl.BlockSpec((2 * HIDDEN, HIDDEN), lambda i: (0, 0)),
            pl.BlockSpec((1, HIDDEN), lambda i: (0, 0)),
        ],
        out_specs=pl.BlockSpec((BLK_N, HIDDEN), lambda i: (i, 0)),
        out_shape=jax.ShapeDtypeStruct((N_NODES, HIDDEN), F32),
    )(node_feats, Wn, bn2, Wm1, bias1)

    src3 = edge_idx[0].astype(jnp.int32).reshape(NW, K, CHUNK)
    dst3 = edge_idx[1].astype(jnp.int32).reshape(NW, K, CHUNK)
    ef_p = edge_feats

    mesh = plsc.VectorSubcoreMesh(core_axis_name="c", subcore_axis_name="s")

    g = pl.kernel(
        _gather_body,
        out_type=jax.ShapeDtypeStruct((E_PAD, HIDDEN), F32),
        mesh=mesh,
        scratch_types=[
            pltpu.VMEM((K, CHUNK), jnp.int32),
            pltpu.VMEM((CHUNK, HIDDEN), F32),
            pltpu.VMEM((CHUNK, HIDDEN), F32),
            pltpu.VMEM((CHUNK, HIDDEN), F32),
            pltpu.SemaphoreType.DMA,
            pltpu.SemaphoreType.DMA,
            pltpu.SemaphoreType.DMA,
            pltpu.SemaphoreType.DMA,
            pltpu.SemaphoreType.DMA,
            pltpu.SemaphoreType.DMA,
            pltpu.VMEM_SHARED((N_NODES, HIDDEN), F32),
        ],
    )(hm, src3)

    BLK_E = 5000
    xt = pl.pallas_call(
        _edge_body,
        grid=(E_PAD // BLK_E,),
        in_specs=[
            pl.BlockSpec((BLK_E, HIDDEN), lambda i: (i, 0)),
            pl.BlockSpec((BLK_E, EDGE_DIM), lambda i: (i, 0)),
            pl.BlockSpec((EDGE_DIM, HIDDEN), lambda i: (0, 0)),
        ],
        out_specs=pl.BlockSpec((BLK_E, HIDDEN), lambda i: (i, 0)),
        out_shape=jax.ShapeDtypeStruct((E_PAD, HIDDEN), F32),
    )(g, ef_p, We2)

    zeros128 = jnp.zeros((N_PAD, HIDDEN), F32)
    agg2, degs = pl.kernel(
        _scatter_body,
        out_type=[
            jax.ShapeDtypeStruct((NC, N_PAD, HIDDEN), F32),
            jax.ShapeDtypeStruct((NW, N_PAD), F32),
        ],
        mesh=mesh,
        scratch_types=[
            pltpu.VMEM((K, CHUNK), jnp.int32),
            pltpu.VMEM((CHUNK, HIDDEN), F32),
            pltpu.VMEM((CHUNK, HIDDEN), F32),
            pltpu.VMEM((N_PAD,), F32),
            pltpu.SemaphoreType.DMA,
            pltpu.SemaphoreType.DMA,
            pltpu.SemaphoreType.DMA,
            pltpu.SemaphoreType.DMA,
            pltpu.VMEM_SHARED((N_PAD, HIDDEN), F32),
        ],
        compiler_params=pltpu.CompilerParams(needs_layout_passes=False),
    )(xt, dst3, zeros128)

    degterm = pl.pallas_call(
        _degterm_body,
        out_shape=jax.ShapeDtypeStruct((N_PAD, HIDDEN), F32),
    )(degs, bcombo)

    out = pl.pallas_call(
        _post_body,
        grid=(N_NODES // BLK_N,),
        in_specs=[
            pl.BlockSpec((BLK_N, NODE_DIM), lambda i: (i, 0)),
            pl.BlockSpec((NC, BLK_N, HIDDEN), lambda i: (0, i, 0)),
            pl.BlockSpec((BLK_N, HIDDEN), lambda i: (i, 0)),
            pl.BlockSpec((NODE_DIM + HIDDEN, HIDDEN), lambda i: (0, 0)),
            pl.BlockSpec((1, HIDDEN), lambda i: (0, 0)),
            pl.BlockSpec((HIDDEN, HIDDEN), lambda i: (0, 0)),
            pl.BlockSpec((HIDDEN, HIDDEN), lambda i: (0, 0)),
            pl.BlockSpec((1, HIDDEN), lambda i: (0, 0)),
        ],
        out_specs=pl.BlockSpec((BLK_N, HIDDEN), lambda i: (i, 0)),
        out_shape=jax.ShapeDtypeStruct((N_NODES, HIDDEN), F32),
    )(node_feats, agg2, degterm, Wu1, bu12, Wcombo, Wu2, bu22)

    return out

# --- scband reference (transcript-rebuilt; emitter-appended) ---
"""Pipeline reference for scband-graph-conv-layer-19078244729007 (READ-ONLY COPY).

The authoritative reference and input builder live on the scoring server;
editing this copy changes nothing except your own understanding.
"""

import jax, jax.numpy as jnp
import numpy as np

NODE_DIM = 128
EDGE_DIM = 16
HIDDEN = 128
N_NODES = 10000
N_EDGES = 320000

def setup_inputs(seed: int = 0) -> dict:
    key = jax.random.key(seed)
    ks = jax.random.split(key, 12)
    node_feats = jax.random.normal(ks[0], (N_NODES, NODE_DIM), dtype=jnp.float32)
    edge_idx = jax.random.randint(ks[1], (2, N_EDGES), 0, N_NODES, dtype=jnp.int64 if jax.config.jax_enable_x64 else jnp.int32)
    edge_feats = jax.random.normal(ks[2], (N_EDGES, EDGE_DIM), dtype=jnp.float32)
    def lin(k, fan_in, fan_out):
        bound = 1.0 / np.sqrt(fan_in)
        kw, kb = jax.random.split(k)
        W = jax.random.uniform(kw, (fan_in, fan_out), minval=-bound, maxval=bound, dtype=jnp.float32)
        b = jax.random.uniform(kb, (fan_out,), minval=-bound, maxval=bound, dtype=jnp.float32)
        return W, b
    Wn, bn = lin(ks[3], NODE_DIM, HIDDEN)
    We, be = lin(ks[4], EDGE_DIM, HIDDEN)
    Wm1, bm1 = lin(ks[5], HIDDEN * 2, HIDDEN)
    Wm2, bm2 = lin(ks[6], HIDDEN, HIDDEN)
    Wu1, bu1 = lin(ks[7], NODE_DIM + HIDDEN, HIDDEN)
    Wu2, bu2 = lin(ks[8], HIDDEN, HIDDEN)
    return {"node_feats": node_feats, "edge_idx": edge_idx, "edge_feats": edge_feats,
            "Wn": Wn, "bn": bn, "We": We, "be": be,
            "Wm1": Wm1, "bm1": bm1, "Wm2": Wm2, "bm2": bm2,
            "Wu1": Wu1, "bu1": bu1, "Wu2": Wu2, "bu2": bu2}

def reference(node_feats, edge_idx, edge_feats, Wn, bn, We, be, Wm1, bm1, Wm2, bm2, Wu1, bu1, Wu2, bu2):
    h = node_feats @ Wn + bn
    e = edge_feats @ We + be
    src = edge_idx[0]
    dst = edge_idx[1]
    m_in = jnp.concatenate([jnp.take(h, src, axis=0), e], axis=-1)
    m = jax.nn.relu(m_in @ Wm1 + bm1) @ Wm2 + bm2
    agg = jnp.zeros_like(h).at[dst].add(m)
    up = jnp.concatenate([node_feats, agg], axis=-1)
    out = jax.nn.relu(up @ Wu1 + bu1) @ Wu2 + bu2
    return out

if __name__ == "__main__":
    import jax
    _d = setup_inputs()
    print(jax.jit(kernel)(*tuple(_d.values())))

</pallas_src>

<mosaic_0001>
#map = affine_map<(d0, d1) -> (0, 0)>
#map1 = affine_map<(d0, d1) -> (0, 0, 0)>
module attributes {stable_mosaic.version = 14 : i64} {
  func.func @_scatter_body(%arg0: i32, %arg1: i32, %arg2: memref<320000x128xf32, #tpu.memory_space<hbm>>, %arg3: memref<32x125x80xi32, #tpu.memory_space<hbm>>, %arg4: memref<10016x128xf32, #tpu.memory_space<hbm>>, %arg5: memref<2x10016x128xf32, #tpu.memory_space<hbm>>, %arg6: memref<32x10016xf32, #tpu.memory_space<hbm>>, %arg7: memref<125x80xi32, #tpu.memory_space<vmem>>, %arg8: memref<80x128xf32, #tpu.memory_space<vmem>>, %arg9: memref<80x128xf32, #tpu.memory_space<vmem>>, %arg10: memref<10016xf32, #tpu.memory_space<vmem>>, %arg11: memref<!tpu.dma_semaphore, #tpu.memory_space<semaphore_mem>>, %arg12: memref<!tpu.dma_semaphore, #tpu.memory_space<semaphore_mem>>, %arg13: memref<!tpu.dma_semaphore, #tpu.memory_space<semaphore_mem>>, %arg14: memref<!tpu.dma_semaphore, #tpu.memory_space<semaphore_mem>>, %arg15: memref<10016x128xf32, #tpu.memory_space<vmem_shared>>) attributes {dimension_semantics = [#tpu.dimension_semantics<core_parallel>, #tpu.dimension_semantics<subcore_parallel>], iteration_bounds = array<i64: 2, 16>, scalar_prefetch = 0 : i64, scratch_operands = 9 : i64, tpu.core_type = #tpu.core_type<sc_vector_subcore>, window_params = [{transform_indices = #map}, {transform_indices = #map1}, {transform_indices = #map}, {transform_indices = #map1}, {transform_indices = #map}]} {
    %mul3A = arith.constant 2 : i32
    %mul3A_0 = arith.muli %arg1, %mul3A : i32
    %add3A = arith.addi %mul3A_0, %arg0 : i32
    %eq3A = arith.constant 0 : i32
    %eq3A_1 = arith.cmpi eq, %arg1, %eq3A : i32
    %convert_element_type3A = arith.extui %eq3A_1 : i1 to i32
    %cond3A = arith.constant 0 : i32
    %cond3A_2 = arith.cmpi ne, %convert_element_type3A, %cond3A : i32
    scf.if %cond3A_2 {
      "tpu.region"() ({
        %run_scoped3A = tpu.sem_alloc : memref<!tpu.dma_semaphore, #tpu.memory_space<semaphore_mem>>
        tpu.enqueue_dma source(%arg4 : memref<10016x128xf32, #tpu.memory_space<hbm>>) target(%arg15 : memref<10016x128xf32, #tpu.memory_space<vmem_shared>>) target_semaphore(%run_scoped3A : memref<!tpu.dma_semaphore, #tpu.memory_space<semaphore_mem>>)
        tpu.wait_dma2 semaphore(%run_scoped3A : memref<!tpu.dma_semaphore, #tpu.memory_space<semaphore_mem>>) src(%arg4 : memref<10016x128xf32, #tpu.memory_space<hbm>>) dst(%arg15 : memref<10016x128xf32, #tpu.memory_space<vmem_shared>>)
        tpu.yield
      }) : () -> ()
    } else {
    }
    %broadcast_in_dim3A = arith.constant 0.000000e+00 : f32
    %broadcast_in_dim3A_3 = vector.broadcast %broadcast_in_dim3A : f32 to vector<16xf32>
    %scan3A = arith.constant 0 : i32
    %scan3A_4 = arith.constant 0 : i32
    %scan3A_5 = arith.constant 626 : i32
    %scan3A_6 = arith.addi %scan3A_4, %scan3A_5 : i32
    %scan3A_7 = arith.constant 1 : i32
    scf.for %scan3A_41 = %scan3A_4 to %scan3A_6 step %scan3A_7  : i32 {
      %mul3A_42 = arith.constant 16 : i32
      %mul3A_43 = arith.muli %scan3A_41, %mul3A_42 : i32
      %swap3A = arith.index_cast %mul3A_43 : i32 to index
      %swap3A_44 = tpu.vector_load %arg10[%swap3A] {strides = array<i32>} : memref<10016xf32, #tpu.memory_space<vmem>>, vector<16xf32>,
      tpu.vector_store %arg10[%swap3A], %broadcast_in_dim3A_3 {strides = array<i32>} : memref<10016xf32, #tpu.memory_space<vmem>>, vector<16xf32>,
    }
    %scan3A_8 = arith.constant 626 : i32
    %barrier3A = arith.constant 0 : index
    tpu.barrier barrier_id(%barrier3A)
    "tpu.region"() ({
      %run_scoped3A = tpu.sem_alloc : memref<!tpu.dma_semaphore, #tpu.memory_space<semaphore_mem>>
      %dma_start3A_41 = arith.constant 0 : i32
      %dma_start3A_42 = arith.constant 0 : i32
      %dma_start3A_43 = tpu.memref_slice %arg3[%add3A, %dma_start3A_41, %dma_start3A_42] : memref<32x125x80xi32, #tpu.memory_space<hbm>> -> memref<1x125x80xi32, #tpu.memory_space<hbm>>
      %dma_start3A_44 = tpu.memref_squeeze %dma_start3A_43 : memref<1x125x80xi32, #tpu.memory_space<hbm>> -> memref<125x80xi32, #tpu.memory_space<hbm>>
      %dma_start3A_45 = arith.constant 0 : i32
      %dma_start3A_46 = arith.constant 0 : i32
      %dma_start3A_47 = tpu.memref_slice %arg3[%add3A, %dma_start3A_45, %dma_start3A_46] : memref<32x125x80xi32, #tpu.memory_space<hbm>> -> memref<1x125x80xi32, #tpu.memory_space<hbm>>
      %dma_start3A_48 = tpu.memref_squeeze %dma_start3A_47 : memref<1x125x80xi32, #tpu.memory_space<hbm>> -> memref<125x80xi32, #tpu.memory_space<hbm>>
      tpu.enqueue_dma source(%dma_start3A_48 : memref<125x80xi32, #tpu.memory_space<hbm>>) target(%arg7 : memref<125x80xi32, #tpu.memory_space<vmem>>) target_semaphore(%run_scoped3A : memref<!tpu.dma_semaphore, #tpu.memory_space<semaphore_mem>>)
      %dma_wait3A_49 = arith.constant 0 : i32
      %dma_wait3A_50 = arith.constant 0 : i32
      %dma_wait3A_51 = tpu.memref_slice %arg3[%add3A, %dma_wait3A_49, %dma_wait3A_50] : memref<32x125x80xi32, #tpu.memory_space<hbm>> -> memref<1x125x80xi32, #tpu.memory_space<hbm>>
      %dma_wait3A_52 = tpu.memref_squeeze %dma_wait3A_51 : memref<1x125x80xi32, #tpu.memory_space<hbm>> -> memref<125x80xi32, #tpu.memory_space<hbm>>
      %dma_wait3A_53 = arith.constant 0 : i32
      %dma_wait3A_54 = arith.constant 0 : i32
      %dma_wait3A_55 = tpu.memref_slice %arg3[%add3A, %dma_wait3A_53, %dma_wait3A_54] : memref<32x125x80xi32, #tpu.memory_space<hbm>> -> memref<1x125x80xi32, #tpu.memory_space<hbm>>
      %dma_wait3A_56 = tpu.memref_squeeze %dma_wait3A_55 : memref<1x125x80xi32, #tpu.memory_space<hbm>> -> memref<125x80xi32, #tpu.memory_space<hbm>>
      tpu.wait_dma2 semaphore(%run_scoped3A : memref<!tpu.dma_semaphore, #tpu.memory_space<semaphore_mem>>) src(%dma_wait3A_56 : memref<125x80xi32, #tpu.memory_space<hbm>>) dst(%arg7 : memref<125x80xi32, #tpu.memory_space<vmem>>)
      tpu.yield
    }) : () -> ()
    %mul3A_9 = arith.constant 10000 : i32
    %mul3A_10 = arith.muli %add3A, %mul3A_9 : i32
    %broadcast_in_dim3A_11 = arith.constant 1.000000e+00 : f32
    %broadcast_in_dim3A_12 = vector.broadcast %broadcast_in_dim3A_11 : f32 to vector<16xf32>
    %dma_start3A = arith.constant 0 : i32
    %dma_start3A_13 = tpu.memref_slice %arg2[%mul3A_10, %dma_start3A] : memref<320000x128xf32, #tpu.memory_space<hbm>> -> memref<80x128xf32, #tpu.memory_space<hbm>>
    %dma_start3A_14 = arith.constant 0 : i32
    %dma_start3A_15 = tpu.memref_slice %arg2[%mul3A_10, %dma_start3A_14] : memref<320000x128xf32, #tpu.memory_space<hbm>> -> memref<80x128xf32, #tpu.memory_space<hbm>>
    tpu.enqueue_dma source(%dma_start3A_15 : memref<80x128xf32, #tpu.memory_space<hbm>>) target(%arg8 : memref<80x128xf32, #tpu.memory_space<vmem>>) target_semaphore(%arg11 : memref<!tpu.dma_semaphore, #tpu.memory_space<semaphore_mem>>)
    %scan3A_16 = arith.constant 0 : i32
    %scan3A_17 = arith.constant 0 : i32
    %scan3A_18 = arith.constant 63 : i32
    %scan3A_19 = arith.addi %scan3A_17, %scan3A_18 : i32
    %scan3A_20 = arith.constant 1 : i32
    scf.for %scan3A_41 = %scan3A_17 to %scan3A_19 step %scan3A_20  : i32 {
      %mul3A_42 = arith.constant 2 : i32
      %mul3A_43 = arith.muli %scan3A_41, %mul3A_42 : i32
      %add3A_44 = arith.constant 0 : i32
      %add3A_45 = arith.addi %mul3A_43, %add3A_44 : i32
      %lt3A = arith.constant 125 : i32
      %lt3A_46 = arith.cmpi slt, %add3A_45, %lt3A : i32
      %convert_element_type3A_47 = arith.extui %lt3A_46 : i1 to i32
      %cond3A_48 = arith.constant 0 : i32
      %cond3A_49 = arith.cmpi ne, %convert_element_type3A_47, %cond3A_48 : i32
      scf.if %cond3A_49 {
        %mul3A_59 = arith.constant 80 : i32
        %mul3A_60 = arith.muli %add3A_45, %mul3A_59 : i32
        %add3A_61 = arith.addi %mul3A_10, %mul3A_60 : i32
        %dma_wait3A_62 = arith.constant 0 : i32
        %dma_wait3A_63 = tpu.memref_slice %arg2[%add3A_61, %dma_wait3A_62] : memref<320000x128xf32, #tpu.memory_space<hbm>> -> memref<80x128xf32, #tpu.memory_space<hbm>>
        %dma_wait3A_64 = arith.constant 0 : i32
        %dma_wait3A_65 = tpu.memref_slice %arg2[%add3A_61, %dma_wait3A_64] : memref<320000x128xf32, #tpu.memory_space<hbm>> -> memref<80x128xf32, #tpu.memory_space<hbm>>
        tpu.wait_dma2 semaphore(%arg11 : memref<!tpu.dma_semaphore, #tpu.memory_space<semaphore_mem>>) src(%dma_wait3A_65 : memref<80x128xf32, #tpu.memory_space<hbm>>) dst(%arg8 : memref<80x128xf32, #tpu.memory_space<vmem>>)
        %add3A_66 = arith.constant 1 : i32
        %add3A_67 = arith.addi %add3A_45, %add3A_66 : i32
        %lt3A_68 = arith.constant 125 : i32
        %lt3A_69 = arith.cmpi slt, %add3A_67, %lt3A_68 : i32
        %convert_element_type3A_70 = arith.extui %lt3A_69 : i1 to i32
        %cond3A_71 = arith.constant 0 : i32
        %cond3A_72 = arith.cmpi ne, %convert_element_type3A_70, %cond3A_71 : i32
        scf.if %cond3A_72 {
          %ge3A = arith.constant 1 : i32
          %ge3A_93 = arith.cmpi sge, %add3A_45, %ge3A : i32
          %convert_element_type3A_94 = arith.extui %ge3A_93 : i1 to i32
          %cond3A_95 = arith.constant 0 : i32
          %cond3A_96 = arith.cmpi ne, %convert_element_type3A_94, %cond3A_95 : i32
          scf.if %cond3A_96 {
            %sub3A = arith.constant 1 : i32
            %sub3A_106 = arith.subi %add3A_45, %sub3A : i32
            %dma_wait3A_107 = arith.constant 0 : i32
            %dma_wait3A_108 = tpu.memref_slice %arg7[%sub3A_106, %dma_wait3A_107] : memref<125x80xi32, #tpu.memory_space<vmem>> -> memref<1x80xi32, #tpu.memory_space<vmem>>
            %dma_wait3A_109 = tpu.memref_squeeze %dma_wait3A_108 : memref<1x80xi32, #tpu.memory_space<vmem>> -> memref<80xi32, #tpu.memory_space<vmem>>
            %dma_wait3A_110 = arith.constant 0 : i32
            %dma_wait3A_111 = arith.constant 0 : i32
            %dma_wait3A_112 = tpu.memref_slice %arg15[%dma_wait3A_110, %dma_wait3A_111] : memref<10016x128xf32, #tpu.memory_space<vmem_shared>> -> memref<10016x128xf32, #tpu.memory_space<vmem_shared>>
            tpu.wait_indirect_dma semaphore(%arg14 : memref<!tpu.dma_semaphore, #tpu.memory_space<semaphore_mem>>) src(%arg9 : memref<80x128xf32, #tpu.memory_space<vmem>>) dst(%dma_wait3A_112 : memref<10016x128xf32, #tpu.memory_space<vmem_shared>>)
          } else {
          }
          %add3A_97 = arith.constant 1 : i32
          %add3A_98 = arith.addi %add3A_45, %add3A_97 : i32
          %mul3A_99 = arith.constant 80 : i32
          %mul3A_100 = arith.muli %add3A_98, %mul3A_99 : i32
          %add3A_101 = arith.addi %mul3A_10, %mul3A_100 : i32
          %dma_start3A_102 = arith.constant 0 : i32
          %dma_start3A_103 = tpu.memref_slice %arg2[%add3A_101, %dma_start3A_102] : memref<320000x128xf32, #tpu.memory_space<hbm>> -> memref<80x128xf32, #tpu.memory_space<hbm>>
          %dma_start3A_104 = arith.constant 0 : i32
          %dma_start3A_105 = tpu.memref_slice %arg2[%add3A_101, %dma_start3A_104] : memref<320000x128xf32, #tpu.memory_space<hbm>> -> memref<80x128xf32, #tpu.memory_space<hbm>>
          tpu.enqueue_dma source(%dma_start3A_105 : memref<80x128xf32, #tpu.memory_space<hbm>>) target(%arg9 : memref<80x128xf32, #tpu.memory_space<vmem>>) target_semaphore(%arg12 : memref<!tpu.dma_semaphore, #tpu.memory_space<semaphore_mem>>)
        } else {
        }
        %dma_start3A_73 = arith.constant 0 : i32
        %dma_start3A_74 = tpu.memref_slice %arg7[%add3A_45, %dma_start3A_73] : memref<125x80xi32, #tpu.memory_space<vmem>> -> memref<1x80xi32, #tpu.memory_space<vmem>>
        %dma_start3A_75 = tpu.memref_squeeze %dma_start3A_74 : memref<1x80xi32, #tpu.memory_space<vmem>> -> memref<80xi32, #tpu.memory_space<vmem>>
        %dma_start3A_76 = arith.constant 0 : i32
        %dma_start3A_77 = arith.constant 0 : i32
        %dma_start3A_78 = tpu.memref_slice %arg15[%dma_start3A_76, %dma_start3A_77] : memref<10016x128xf32, #tpu.memory_space<vmem_shared>> -> memref<10016x128xf32, #tpu.memory_space<vmem_shared>>
        tpu.enqueue_indirect_dma source(%arg8 : memref<80x128xf32, #tpu.memory_space<vmem>>) target(%dma_start3A_78 : memref<10016x128xf32, #tpu.memory_space<vmem_shared>>) offsets(%dma_start3A_75 : memref<80xi32, #tpu.memory_space<vmem>>) semaphore(%arg13 : memref<!tpu.dma_semaphore, #tpu.memory_space<semaphore_mem>>) {add = true}
        %get3A = arith.index_cast %add3A_45 : i32 to index
        %get3A_79 = arith.constant 0 : index
        %get3A_80 = tpu.vector_load %arg7[%get3A, %get3A_79] {strides = array<i32>} : memref<125x80xi32, #tpu.memory_space<vmem>>, vector<16xi32>,
        tpu.vector_store_idx %arg10[%get3A_80], %broadcast_in_dim3A_12 {add = true} : memref<10016xf32, #tpu.memory_space<vmem>>[vector<16xi32>], vector<16xf32>,
        %get3A_81 = arith.index_cast %add3A_45 : i32 to index
        %get3A_82 = arith.constant 16 : index
        %get3A_83 = tpu.vector_load %arg7[%get3A_81, %get3A_82] {strides = array<i32>} : memref<125x80xi32, #tpu.memory_space<vmem>>, vector<16xi32>,
        tpu.vector_store_idx %arg10[%get3A_83], %broadcast_in_dim3A_12 {add = true} : memref<10016xf32, #tpu.memory_space<vmem>>[vector<16xi32>], vector<16xf32>,
        %get3A_84 = arith.index_cast %add3A_45 : i32 to index
        %get3A_85 = arith.constant 32 : index
        %get3A_86 = tpu.vector_load %arg7[%get3A_84, %get3A_85] {strides = array<i32>} : memref<125x80xi32, #tpu.memory_space<vmem>>, vector<16xi32>,
        tpu.vector_store_idx %arg10[%get3A_86], %broadcast_in_dim3A_12 {add = true} : memref<10016xf32, #tpu.memory_space<vmem>>[vector<16xi32>], vector<16xf32>,
        %get3A_87 = arith.index_cast %add3A_45 : i32 to index
        %get3A_88 = arith.constant 48 : index
        %get3A_89 = tpu.vector_load %arg7[%get3A_87, %get3A_88] {strides = array<i32>} : memref<125x80xi32, #tpu.memory_space<vmem>>, vector<16xi32>,
        tpu.vector_store_idx %arg10[%get3A_89], %broadcast_in_dim3A_12 {add = true} : memref<10016xf32, #tpu.memory_space<vmem>>[vector<16xi32>], vector<16xf32>,
        %get3A_90 = arith.index_cast %add3A_45 : i32 to index
        %get3A_91 = arith.constant 64 : index
        %get3A_92 = tpu.vector_load %arg7[%get3A_90, %get3A_91] {strides = array<i32>} : memref<125x80xi32, #tpu.memory_space<vmem>>, vector<16xi32>,
        tpu.vector_store_idx %arg10[%get3A_92], %broadcast_in_dim3A_12 {add = true} : memref<10016xf32, #tpu.memory_space<vmem>>[vector<16xi32>], vector<16xf32>,
      } else {
      }
      %mul3A_50 = arith.constant 2 : i32
      %mul3A_51 = arith.muli %scan3A_41, %mul3A_50 : i32
      %add3A_52 = arith.constant 1 : i32
      %add3A_53 = arith.addi %mul3A_51, %add3A_52 : i32
      %lt3A_54 = arith.constant 125 : i32
      %lt3A_55 = arith.cmpi slt, %add3A_53, %lt3A_54 : i32
      %convert_element_type3A_56 = arith.extui %lt3A_55 : i1 to i32
      %cond3A_57 = arith.constant 0 : i32
      %cond3A_58 = arith.cmpi ne, %convert_element_type3A_56, %cond3A_57 : i32
      scf.if %cond3A_58 {
        %mul3A_59 = arith.constant 80 : i32
        %mul3A_60 = arith.muli %add3A_53, %mul3A_59 : i32
        %add3A_61 = arith.addi %mul3A_10, %mul3A_60 : i32
        %dma_wait3A_62 = arith.constant 0 : i32
        %dma_wait3A_63 = tpu.memref_slice %arg2[%add3A_61, %dma_wait3A_62] : memref<320000x128xf32, #tpu.memory_space<hbm>> -> memref<80x128xf32, #tpu.memory_space<hbm>>
        %dma_wait3A_64 = arith.constant 0 : i32
        %dma_wait3A_65 = tpu.memref_slice %arg2[%add3A_61, %dma_wait3A_64] : memref<320000x128xf32, #tpu.memory_space<hbm>> -> memref<80x128xf32, #tpu.memory_space<hbm>>
        tpu.wait_dma2 semaphore(%arg12 : memref<!tpu.dma_semaphore, #tpu.memory_space<semaphore_mem>>) src(%dma_wait3A_65 : memref<80x128xf32, #tpu.memory_space<hbm>>) dst(%arg9 : memref<80x128xf32, #tpu.memory_space<vmem>>)
        %add3A_66 = arith.constant 1 : i32
        %add3A_67 = arith.addi %add3A_53, %add3A_66 : i32
        %lt3A_68 = arith.constant 125 : i32
        %lt3A_69 = arith.cmpi slt, %add3A_67, %lt3A_68 : i32
        %convert_element_type3A_70 = arith.extui %lt3A_69 : i1 to i32
        %cond3A_71 = arith.constant 0 : i32
        %cond3A_72 = arith.cmpi ne, %convert_element_type3A_70, %cond3A_71 : i32
        scf.if %cond3A_72 {
          %ge3A = arith.constant 1 : i32
          %ge3A_93 = arith.cmpi sge, %add3A_53, %ge3A : i32
          %convert_element_type3A_94 = arith.extui %ge3A_93 : i1 to i32
          %cond3A_95 = arith.constant 0 : i32
          %cond3A_96 = arith.cmpi ne, %convert_element_type3A_94, %cond3A_95 : i32
          scf.if %cond3A_96 {
            %sub3A = arith.constant 1 : i32
            %sub3A_106 = arith.subi %add3A_53, %sub3A : i32
            %dma_wait3A_107 = arith.constant 0 : i32
            %dma_wait3A_108 = tpu.memref_slice %arg7[%sub3A_106, %dma_wait3A_107] : memref<125x80xi32, #tpu.memory_space<vmem>> -> memref<1x80xi32, #tpu.memory_space<vmem>>
            %dma_wait3A_109 = tpu.memref_squeeze %dma_wait3A_108 : memref<1x80xi32, #tpu.memory_space<vmem>> -> memref<80xi32, #tpu.memory_space<vmem>>
            %dma_wait3A_110 = arith.constant 0 : i32
            %dma_wait3A_111 = arith.constant 0 : i32
            %dma_wait3A_112 = tpu.memref_slice %arg15[%dma_wait3A_110, %dma_wait3A_111] : memref<10016x128xf32, #tpu.memory_space<vmem_shared>> -> memref<10016x128xf32, #tpu.memory_space<vmem_shared>>
            tpu.wait_indirect_dma semaphore(%arg13 : memref<!tpu.dma_semaphore, #tpu.memory_space<semaphore_mem>>) src(%arg8 : memref<80x128xf32, #tpu.memory_space<vmem>>) dst(%dma_wait3A_112 : memref<10016x128xf32, #tpu.memory_space<vmem_shared>>)
          } else {
          }
          %add3A_97 = arith.constant 1 : i32
          %add3A_98 = arith.addi %add3A_53, %add3A_97 : i32
          %mul3A_99 = arith.constant 80 : i32
          %mul3A_100 = arith.muli %add3A_98, %mul3A_99 : i32
          %add3A_101 = arith.addi %mul3A_10, %mul3A_100 : i32
          %dma_start3A_102 = arith.constant 0 : i32
          %dma_start3A_103 = tpu.memref_slice %arg2[%add3A_101, %dma_start3A_102] : memref<320000x128xf32, #tpu.memory_space<hbm>> -> memref<80x128xf32, #tpu.memory_space<hbm>>
          %dma_start3A_104 = arith.constant 0 : i32
          %dma_start3A_105 = tpu.memref_slice %arg2[%add3A_101, %dma_start3A_104] : memref<320000x128xf32, #tpu.memory_space<hbm>> -> memref<80x128xf32, #tpu.memory_space<hbm>>
          tpu.enqueue_dma source(%dma_start3A_105 : memref<80x128xf32, #tpu.memory_space<hbm>>) target(%arg8 : memref<80x128xf32, #tpu.memory_space<vmem>>) target_semaphore(%arg11 : memref<!tpu.dma_semaphore, #tpu.memory_space<semaphore_mem>>)
        } else {
        }
        %dma_start3A_73 = arith.constant 0 : i32
        %dma_start3A_74 = tpu.memref_slice %arg7[%add3A_53, %dma_start3A_73] : memref<125x80xi32, #tpu.memory_space<vmem>> -> memref<1x80xi32, #tpu.memory_space<vmem>>
        %dma_start3A_75 = tpu.memref_squeeze %dma_start3A_74 : memref<1x80xi32, #tpu.memory_space<vmem>> -> memref<80xi32, #tpu.memory_space<vmem>>
        %dma_start3A_76 = arith.constant 0 : i32
        %dma_start3A_77 = arith.constant 0 : i32
        %dma_start3A_78 = tpu.memref_slice %arg15[%dma_start3A_76, %dma_start3A_77] : memref<10016x128xf32, #tpu.memory_space<vmem_shared>> -> memref<10016x128xf32, #tpu.memory_space<vmem_shared>>
        tpu.enqueue_indirect_dma source(%arg9 : memref<80x128xf32, #tpu.memory_space<vmem>>) target(%dma_start3A_78 : memref<10016x128xf32, #tpu.memory_space<vmem_shared>>) offsets(%dma_start3A_75 : memref<80xi32, #tpu.memory_space<vmem>>) semaphore(%arg14 : memref<!tpu.dma_semaphore, #tpu.memory_space<semaphore_mem>>) {add = true}
        %get3A = arith.index_cast %add3A_53 : i32 to index
        %get3A_79 = arith.constant 0 : index
        %get3A_80 = tpu.vector_load %arg7[%get3A, %get3A_79] {strides = array<i32>} : memref<125x80xi32, #tpu.memory_space<vmem>>, vector<16xi32>,
        tpu.vector_store_idx %arg10[%get3A_80], %broadcast_in_dim3A_12 {add = true} : memref<10016xf32, #tpu.memory_space<vmem>>[vector<16xi32>], vector<16xf32>,
        %get3A_81 = arith.index_cast %add3A_53 : i32 to index
        %get3A_82 = arith.constant 16 : index
        %get3A_83 = tpu.vector_load %arg7[%get3A_81, %get3A_82] {strides = array<i32>} : memref<125x80xi32, #tpu.memory_space<vmem>>, vector<16xi32>,
        tpu.vector_store_idx %arg10[%get3A_83], %broadcast_in_dim3A_12 {add = true} : memref<10016xf32, #tpu.memory_space<vmem>>[vector<16xi32>], vector<16xf32>,
        %get3A_84 = arith.index_cast %add3A_53 : i32 to index
        %get3A_85 = arith.constant 32 : index
        %get3A_86 = tpu.vector_load %arg7[%get3A_84, %get3A_85] {strides = array<i32>} : memref<125x80xi32, #tpu.memory_space<vmem>>, vector<16xi32>,
        tpu.vector_store_idx %arg10[%get3A_86], %broadcast_in_dim3A_12 {add = true} : memref<10016xf32, #tpu.memory_space<vmem>>[vector<16xi32>], vector<16xf32>,
        %get3A_87 = arith.index_cast %add3A_53 : i32 to index
        %get3A_88 = arith.constant 48 : index
        %get3A_89 = tpu.vector_load %arg7[%get3A_87, %get3A_88] {strides = array<i32>} : memref<125x80xi32, #tpu.memory_space<vmem>>, vector<16xi32>,
        tpu.vector_store_idx %arg10[%get3A_89], %broadcast_in_dim3A_12 {add = true} : memref<10016xf32, #tpu.memory_space<vmem>>[vector<16xi32>], vector<16xf32>,
        %get3A_90 = arith.index_cast %add3A_53 : i32 to index
        %get3A_91 = arith.constant 64 : index
        %get3A_92 = tpu.vector_load %arg7[%get3A_90, %get3A_91] {strides = array<i32>} : memref<125x80xi32, #tpu.memory_space<vmem>>, vector<16xi32>,
        tpu.vector_store_idx %arg10[%get3A_92], %broadcast_in_dim3A_12 {add = true} : memref<10016xf32, #tpu.memory_space<vmem>>[vector<16xi32>], vector<16xf32>,
      } else {
      }
    }
    %scan3A_21 = arith.constant 63 : i32
    %dma_wait3A = arith.constant 123 : i32
    %dma_wait3A_22 = arith.constant 0 : i32
    %dma_wait3A_23 = tpu.memref_slice %arg7[%dma_wait3A, %dma_wait3A_22] : memref<125x80xi32, #tpu.memory_space<vmem>> -> memref<1x80xi32, #tpu.memory_space<vmem>>
    %dma_wait3A_24 = tpu.memref_squeeze %dma_wait3A_23 : memref<1x80xi32, #tpu.memory_space<vmem>> -> memref<80xi32, #tpu.memory_space<vmem>>
    %dma_wait3A_25 = arith.constant 0 : i32
    %dma_wait3A_26 = arith.constant 0 : i32
    %dma_wait3A_27 = tpu.memref_slice %arg15[%dma_wait3A_25, %dma_wait3A_26] : memref<10016x128xf32, #tpu.memory_space<vmem_shared>> -> memref<10016x128xf32, #tpu.memory_space<vmem_shared>>
    tpu.wait_indirect_dma semaphore(%arg14 : memref<!tpu.dma_semaphore, #tpu.memory_space<semaphore_mem>>) src(%arg9 : memref<80x128xf32, #tpu.memory_space<vmem>>) dst(%dma_wait3A_27 : memref<10016x128xf32, #tpu.memory_space<vmem_shared>>)
    %dma_wait3A_28 = arith.constant 124 : i32
    %dma_wait3A_29 = arith.constant 0 : i32
    %dma_wait3A_30 = tpu.memref_slice %arg7[%dma_wait3A_28, %dma_wait3A_29] : memref<125x80xi32, #tpu.memory_space<vmem>> -> memref<1x80xi32, #tpu.memory_space<vmem>>
    %dma_wait3A_31 = tpu.memref_squeeze %dma_wait3A_30 : memref<1x80xi32, #tpu.memory_space<vmem>> -> memref<80xi32, #tpu.memory_space<vmem>>
    %dma_wait3A_32 = arith.constant 0 : i32
    %dma_wait3A_33 = arith.constant 0 : i32
    %dma_wait3A_34 = tpu.memref_slice %arg15[%dma_wait3A_32, %dma_wait3A_33] : memref<10016x128xf32, #tpu.memory_space<vmem_shared>> -> memref<10016x128xf32, #tpu.memory_space<vmem_shared>>
    tpu.wait_indirect_dma semaphore(%arg13 : memref<!tpu.dma_semaphore, #tpu.memory_space<semaphore_mem>>) src(%arg8 : memref<80x128xf32, #tpu.memory_space<vmem>>) dst(%dma_wait3A_34 : memref<10016x128xf32, #tpu.memory_space<vmem_shared>>)
    %barrier3A_35 = arith.constant 0 : index
    tpu.barrier barrier_id(%barrier3A_35)
    %eq3A_36 = arith.constant 0 : i32
    %eq3A_37 = arith.cmpi eq, %arg1, %eq3A_36 : i32
    %convert_element_type3A_38 = arith.extui %eq3A_37 : i1 to i32
    %cond3A_39 = arith.constant 0 : i32
    %cond3A_40 = arith.cmpi ne, %convert_element_type3A_38, %cond3A_39 : i32
    scf.if %cond3A_40 {
      "tpu.region"() ({
        %run_scoped3A = tpu.sem_alloc : memref<!tpu.dma_semaphore, #tpu.memory_space<semaphore_mem>>
        %dma_start3A_41 = arith.constant 0 : i32
        %dma_start3A_42 = arith.constant 0 : i32
        %dma_start3A_43 = tpu.memref_slice %arg5[%arg0, %dma_start3A_41, %dma_start3A_42] : memref<2x10016x128xf32, #tpu.memory_space<hbm>> -> memref<1x10016x128xf32, #tpu.memory_space<hbm>>
        %dma_start3A_44 = tpu.memref_squeeze %dma_start3A_43 : memref<1x10016x128xf32, #tpu.memory_space<hbm>> -> memref<10016x128xf32, #tpu.memory_space<hbm>>
        tpu.enqueue_dma source(%arg15 : memref<10016x128xf32, #tpu.memory_space<vmem_shared>>) target(%dma_start3A_44 : memref<10016x128xf32, #tpu.memory_space<hbm>>) target_semaphore(%run_scoped3A : memref<!tpu.dma_semaphore, #tpu.memory_space<semaphore_mem>>)
        %dma_wait3A_45 = arith.constant 0 : i32
        %dma_wait3A_46 = arith.constant 0 : i32
        %dma_wait3A_47 = tpu.memref_slice %arg5[%arg0, %dma_wait3A_45, %dma_wait3A_46] : memref<2x10016x128xf32, #tpu.memory_space<hbm>> -> memref<1x10016x128xf32, #tpu.memory_space<hbm>>
        %dma_wait3A_48 = tpu.memref_squeeze %dma_wait3A_47 : memref<1x10016x128xf32, #tpu.memory_space<hbm>> -> memref<10016x128xf32, #tpu.memory_space<hbm>>
        tpu.wait_dma2 semaphore(%run_scoped3A : memref<!tpu.dma_semaphore, #tpu.memory_space<semaphore_mem>>) src(%arg15 : memref<10016x128xf32, #tpu.memory_space<vmem_shared>>) dst(%dma_wait3A_48 : memref<10016x128xf32, #tpu.memory_space<hbm>>)
        tpu.yield
      }) : () -> ()
    } else {
    }
    "tpu.region"() ({
      %run_scoped3A = tpu.sem_alloc : memref<!tpu.dma_semaphore, #tpu.memory_space<semaphore_mem>>
      %dma_start3A_41 = arith.constant 0 : i32
      %dma_start3A_42 = tpu.memref_slice %arg6[%add3A, %dma_start3A_41] : memref<32x10016xf32, #tpu.memory_space<hbm>> -> memref<1x10016xf32, #tpu.memory_space<hbm>>
      %dma_start3A_43 = tpu.memref_squeeze %dma_start3A_42 : memref<1x10016xf32, #tpu.memory_space<hbm>> -> memref<10016xf32, #tpu.memory_space<hbm>>
      %dma_start3A_44 = arith.constant 0 : i32
      %dma_start3A_45 = tpu.memref_slice %arg6[%add3A, %dma_start3A_44] : memref<32x10016xf32, #tpu.memory_space<hbm>> -> memref<1x10016xf32, #tpu.memory_space<hbm>>
      %dma_start3A_46 = tpu.memref_squeeze %dma_start3A_45 : memref<1x10016xf32, #tpu.memory_space<hbm>> -> memref<10016xf32, #tpu.memory_space<hbm>>
      tpu.enqueue_dma source(%arg10 : memref<10016xf32, #tpu.memory_space<vmem>>) target(%dma_start3A_46 : memref<10016xf32, #tpu.memory_space<hbm>>) target_semaphore(%run_scoped3A : memref<!tpu.dma_semaphore, #tpu.memory_space<semaphore_mem>>)
      %dma_wait3A_47 = arith.constant 0 : i32
      %dma_wait3A_48 = tpu.memref_slice %arg6[%add3A, %dma_wait3A_47] : memref<32x10016xf32, #tpu.memory_space<hbm>> -> memref<1x10016xf32, #tpu.memory_space<hbm>>
      %dma_wait3A_49 = tpu.memref_squeeze %dma_wait3A_48 : memref<1x10016xf32, #tpu.memory_space<hbm>> -> memref<10016xf32, #tpu.memory_space<hbm>>
      %dma_wait3A_50 = arith.constant 0 : i32
      %dma_wait3A_51 = tpu.memref_slice %arg6[%add3A, %dma_wait3A_50] : memref<32x10016xf32, #tpu.memory_space<hbm>> -> memref<1x10016xf32, #tpu.memory_space<hbm>>
      %dma_wait3A_52 = tpu.memref_squeeze %dma_wait3A_51 : memref<1x10016xf32, #tpu.memory_space<hbm>> -> memref<10016xf32, #tpu.memory_space<hbm>>
      tpu.wait_dma2 semaphore(%run_scoped3A : memref<!tpu.dma_semaphore, #tpu.memory_space<semaphore_mem>>) src(%arg10 : memref<10016xf32, #tpu.memory_space<vmem>>) dst(%dma_wait3A_52 : memref<10016xf32, #tpu.memory_space<hbm>>)
      tpu.yield
    }) : () -> ()
    return
  }
}

#map = affine_map<(d0, d1) -> (0, 0)>
#map1 = affine_map<(d0, d1) -> (0, 0, 0)>
module attributes {stable_mosaic.version = 14 : i64} {
  func.func @_gather_body(%arg0: i32, %arg1: i32, %arg2: memref<10000x128xf32, #tpu.memory_space<hbm>>, %arg3: memref<32x125x80xi32, #tpu.memory_space<hbm>>, %arg4: memref<320000x128xf32, #tpu.memory_space<hbm>>, %arg5: memref<125x80xi32, #tpu.memory_space<vmem>>, %arg6: memref<80x128xf32, #tpu.memory_space<vmem>>, %arg7: memref<80x128xf32, #tpu.memory_space<vmem>>, %arg8: memref<80x128xf32, #tpu.memory_space<vmem>>, %arg9: memref<!tpu.dma_semaphore, #tpu.memory_space<semaphore_mem>>, %arg10: memref<!tpu.dma_semaphore, #tpu.memory_space<semaphore_mem>>, %arg11: memref<!tpu.dma_semaphore, #tpu.memory_space<semaphore_mem>>, %arg12: memref<!tpu.dma_semaphore, #tpu.memory_space<semaphore_mem>>, %arg13: memref<!tpu.dma_semaphore, #tpu.memory_space<semaphore_mem>>, %arg14: memref<!tpu.dma_semaphore, #tpu.memory_space<semaphore_mem>>, %arg15: memref<10000x128xf32, #tpu.memory_space<vmem_shared>>) attributes {dimension_semantics = [#tpu.dimension_semantics<core_parallel>, #tpu.dimension_semantics<subcore_parallel>], iteration_bounds = array<i64: 2, 16>, scalar_prefetch = 0 : i64, scratch_operands = 11 : i64, tpu.core_type = #tpu.core_type<sc_vector_subcore>, window_params = [{transform_indices = #map}, {transform_indices = #map1}, {transform_indices = #map}]} {
    %mul3A = arith.constant 2 : i32
    %mul3A_0 = arith.muli %arg1, %mul3A : i32
    %add3A = arith.addi %mul3A_0, %arg0 : i32
    %eq3A = arith.constant 0 : i32
    %eq3A_1 = arith.cmpi eq, %arg1, %eq3A : i32
    %convert_element_type3A = arith.extui %eq3A_1 : i1 to i32
    %cond3A = arith.constant 0 : i32
    %cond3A_2 = arith.cmpi ne, %convert_element_type3A, %cond3A : i32
    scf.if %cond3A_2 {
      "tpu.region"() ({
        %run_scoped3A = tpu.sem_alloc : memref<!tpu.dma_semaphore, #tpu.memory_space<semaphore_mem>>
        tpu.enqueue_dma source(%arg2 : memref<10000x128xf32, #tpu.memory_space<hbm>>) target(%arg15 : memref<10000x128xf32, #tpu.memory_space<vmem_shared>>) target_semaphore(%run_scoped3A : memref<!tpu.dma_semaphore, #tpu.memory_space<semaphore_mem>>)
        tpu.wait_dma2 semaphore(%run_scoped3A : memref<!tpu.dma_semaphore, #tpu.memory_space<semaphore_mem>>) src(%arg2 : memref<10000x128xf32, #tpu.memory_space<hbm>>) dst(%arg15 : memref<10000x128xf32, #tpu.memory_space<vmem_shared>>)
        tpu.yield
      }) : () -> ()
    } else {
    }
    %barrier3A = arith.constant 0 : index
    tpu.barrier barrier_id(%barrier3A)
    "tpu.region"() ({
      %run_scoped3A = tpu.sem_alloc : memref<!tpu.dma_semaphore, #tpu.memory_space<semaphore_mem>>
      %dma_start3A_33 = arith.constant 0 : i32
      %dma_start3A_34 = arith.constant 0 : i32
      %dma_start3A_35 = tpu.memref_slice %arg3[%add3A, %dma_start3A_33, %dma_start3A_34] : memref<32x125x80xi32, #tpu.memory_space<hbm>> -> memref<1x125x80xi32, #tpu.memory_space<hbm>>
      %dma_start3A_36 = tpu.memref_squeeze %dma_start3A_35 : memref<1x125x80xi32, #tpu.memory_space<hbm>> -> memref<125x80xi32, #tpu.memory_space<hbm>>
      %dma_start3A_37 = arith.constant 0 : i32
      %dma_start3A_38 = arith.constant 0 : i32
      %dma_start3A_39 = tpu.memref_slice %arg3[%add3A, %dma_start3A_37, %dma_start3A_38] : memref<32x125x80xi32, #tpu.memory_space<hbm>> -> memref<1x125x80xi32, #tpu.memory_space<hbm>>
      %dma_start3A_40 = tpu.memref_squeeze %dma_start3A_39 : memref<1x125x80xi32, #tpu.memory_space<hbm>> -> memref<125x80xi32, #tpu.memory_space<hbm>>
      tpu.enqueue_dma source(%dma_start3A_40 : memref<125x80xi32, #tpu.memory_space<hbm>>) target(%arg5 : memref<125x80xi32, #tpu.memory_space<vmem>>) target_semaphore(%run_scoped3A : memref<!tpu.dma_semaphore, #tpu.memory_space<semaphore_mem>>)
      %dma_wait3A_41 = arith.constant 0 : i32
      %dma_wait3A_42 = arith.constant 0 : i32
      %dma_wait3A_43 = tpu.memref_slice %arg3[%add3A, %dma_wait3A_41, %dma_wait3A_42] : memref<32x125x80xi32, #tpu.memory_space<hbm>> -> memref<1x125x80xi32, #tpu.memory_space<hbm>>
      %dma_wait3A_44 = tpu.memref_squeeze %dma_wait3A_43 : memref<1x125x80xi32, #tpu.memory_space<hbm>> -> memref<125x80xi32, #tpu.memory_space<hbm>>
      %dma_wait3A_45 = arith.constant 0 : i32
      %dma_wait3A_46 = arith.constant 0 : i32
      %dma_wait3A_47 = tpu.memref_slice %arg3[%add3A, %dma_wait3A_45, %dma_wait3A_46] : memref<32x125x80xi32, #tpu.memory_space<hbm>> -> memref<1x125x80xi32, #tpu.memory_space<hbm>>
      %dma_wait3A_48 = tpu.memref_squeeze %dma_wait3A_47 : memref<1x125x80xi32, #tpu.memory_space<hbm>> -> memref<125x80xi32, #tpu.memory_space<hbm>>
      tpu.wait_dma2 semaphore(%run_scoped3A : memref<!tpu.dma_semaphore, #tpu.memory_space<semaphore_mem>>) src(%dma_wait3A_48 : memref<125x80xi32, #tpu.memory_space<hbm>>) dst(%arg5 : memref<125x80xi32, #tpu.memory_space<vmem>>)
      tpu.yield
    }) : () -> ()
    %mul3A_3 = arith.constant 10000 : i32
    %mul3A_4 = arith.muli %add3A, %mul3A_3 : i32
    %dma_start3A = arith.constant 0 : i32
    %dma_start3A_5 = arith.constant 0 : i32
    %dma_start3A_6 = tpu.memref_slice %arg5[%dma_start3A, %dma_start3A_5] : memref<125x80xi32, #tpu.memory_space<vmem>> -> memref<1x80xi32, #tpu.memory_space<vmem>>
    %dma_start3A_7 = tpu.memref_squeeze %dma_start3A_6 : memref<1x80xi32, #tpu.memory_space<vmem>> -> memref<80xi32, #tpu.memory_space<vmem>>
    %dma_start3A_8 = arith.constant 0 : i32
    %dma_start3A_9 = arith.constant 0 : i32
    %dma_start3A_10 = tpu.memref_slice %arg15[%dma_start3A_8, %dma_start3A_9] : memref<10000x128xf32, #tpu.memory_space<vmem_shared>> -> memref<10000x128xf32, #tpu.memory_space<vmem_shared>>
    tpu.enqueue_indirect_dma source(%dma_start3A_10 : memref<10000x128xf32, #tpu.memory_space<vmem_shared>>) target(%arg6 : memref<80x128xf32, #tpu.memory_space<vmem>>) offsets(%dma_start3A_7 : memref<80xi32, #tpu.memory_space<vmem>>) semaphore(%arg9 : memref<!tpu.dma_semaphore, #tpu.memory_space<semaphore_mem>>)
    %scan3A = arith.constant 0 : i32
    %scan3A_11 = arith.constant 0 : i32
    %scan3A_12 = arith.constant 42 : i32
    %scan3A_13 = arith.addi %scan3A_11, %scan3A_12 : i32
    %scan3A_14 = arith.constant 1 : i32
    scf.for %scan3A_33 = %scan3A_11 to %scan3A_13 step %scan3A_14  : i32 {
      %mul3A_34 = arith.constant 3 : i32
      %mul3A_35 = arith.muli %scan3A_33, %mul3A_34 : i32
      %add3A_36 = arith.constant 0 : i32
      %add3A_37 = arith.addi %mul3A_35, %add3A_36 : i32
      %lt3A = arith.constant 125 : i32
      %lt3A_38 = arith.cmpi slt, %add3A_37, %lt3A : i32
      %convert_element_type3A_39 = arith.extui %lt3A_38 : i1 to i32
      %cond3A_40 = arith.constant 0 : i32
      %cond3A_41 = arith.cmpi ne, %convert_element_type3A_39, %cond3A_40 : i32
      scf.if %cond3A_41 {
        %dma_wait3A_60 = arith.constant 0 : i32
        %dma_wait3A_61 = tpu.memref_slice %arg5[%add3A_37, %dma_wait3A_60] : memref<125x80xi32, #tpu.memory_space<vmem>> -> memref<1x80xi32, #tpu.memory_space<vmem>>
        %dma_wait3A_62 = tpu.memref_squeeze %dma_wait3A_61 : memref<1x80xi32, #tpu.memory_space<vmem>> -> memref<80xi32, #tpu.memory_space<vmem>>
        %dma_wait3A_63 = arith.constant 0 : i32
        %dma_wait3A_64 = arith.constant 0 : i32
        %dma_wait3A_65 = tpu.memref_slice %arg15[%dma_wait3A_63, %dma_wait3A_64] : memref<10000x128xf32, #tpu.memory_space<vmem_shared>> -> memref<10000x128xf32, #tpu.memory_space<vmem_shared>>
        tpu.wait_indirect_dma semaphore(%arg9 : memref<!tpu.dma_semaphore, #tpu.memory_space<semaphore_mem>>) src(%dma_wait3A_65 : memref<10000x128xf32, #tpu.memory_space<vmem_shared>>) dst(%arg6 : memref<80x128xf32, #tpu.memory_space<vmem>>)
        %add3A_66 = arith.constant 1 : i32
        %add3A_67 = arith.addi %add3A_37, %add3A_66 : i32
        %lt3A_68 = arith.constant 125 : i32
        %lt3A_69 = arith.cmpi slt, %add3A_67, %lt3A_68 : i32
        %convert_element_type3A_70 = arith.extui %lt3A_69 : i1 to i32
        %cond3A_71 = arith.constant 0 : i32
        %cond3A_72 = arith.cmpi ne, %convert_element_type3A_70, %cond3A_71 : i32
        scf.if %cond3A_72 {
          %ge3A = arith.constant 2 : i32
          %ge3A_80 = arith.cmpi sge, %add3A_37, %ge3A : i32
          %convert_element_type3A_81 = arith.extui %ge3A_80 : i1 to i32
          %cond3A_82 = arith.constant 0 : i32
          %cond3A_83 = arith.cmpi ne, %convert_element_type3A_81, %cond3A_82 : i32
          scf.if %cond3A_83 {
            %sub3A = arith.constant 2 : i32
            %sub3A_92 = arith.subi %add3A_37, %sub3A : i32
            %mul3A_93 = arith.constant 80 : i32
            %mul3A_94 = arith.muli %sub3A_92, %mul3A_93 : i32
            %add3A_95 = arith.addi %mul3A_4, %mul3A_94 : i32
            %dma_wait3A_96 = arith.constant 0 : i32
            %dma_wait3A_97 = tpu.memref_slice %arg4[%add3A_95, %dma_wait3A_96] : memref<320000x128xf32, #tpu.memory_space<hbm>> -> memref<80x128xf32, #tpu.memory_space<hbm>>
            %dma_wait3A_98 = arith.constant 0 : i32
            %dma_wait3A_99 = tpu.memref_slice %arg4[%add3A_95, %dma_wait3A_98] : memref<320000x128xf32, #tpu.memory_space<hbm>> -> memref<80x128xf32, #tpu.memory_space<hbm>>
            tpu.wait_dma2 semaphore(%arg13 : memref<!tpu.dma_semaphore, #tpu.memory_space<semaphore_mem>>) src(%arg7 : memref<80x128xf32, #tpu.memory_space<vmem>>) dst(%dma_wait3A_99 : memref<80x128xf32, #tpu.memory_space<hbm>>)
          } else {
          }
          %add3A_84 = arith.constant 1 : i32
          %add3A_85 = arith.addi %add3A_37, %add3A_84 : i32
          %dma_start3A_86 = arith.constant 0 : i32
          %dma_start3A_87 = tpu.memref_slice %arg5[%add3A_85, %dma_start3A_86] : memref<125x80xi32, #tpu.memory_space<vmem>> -> memref<1x80xi32, #tpu.memory_space<vmem>>
          %dma_start3A_88 = tpu.memref_squeeze %dma_start3A_87 : memref<1x80xi32, #tpu.memory_space<vmem>> -> memref<80xi32, #tpu.memory_space<vmem>>
          %dma_start3A_89 = arith.constant 0 : i32
          %dma_start3A_90 = arith.constant 0 : i32
          %dma_start3A_91 = tpu.memref_slice %arg15[%dma_start3A_89, %dma_start3A_90] : memref<10000x128xf32, #tpu.memory_space<vmem_shared>> -> memref<10000x128xf32, #tpu.memory_space<vmem_shared>>
          tpu.enqueue_indirect_dma source(%dma_start3A_91 : memref<10000x128xf32, #tpu.memory_space<vmem_shared>>) target(%arg7 : memref<80x128xf32, #tpu.memory_space<vmem>>) offsets(%dma_start3A_88 : memref<80xi32, #tpu.memory_space<vmem>>) semaphore(%arg10 : memref<!tpu.dma_semaphore, #tpu.memory_space<semaphore_mem>>)
        } else {
        }
        %mul3A_73 = arith.constant 80 : i32
        %mul3A_74 = arith.muli %add3A_37, %mul3A_73 : i32
        %add3A_75 = arith.addi %mul3A_4, %mul3A_74 : i32
        %dma_start3A_76 = arith.constant 0 : i32
        %dma_start3A_77 = tpu.memref_slice %arg4[%add3A_75, %dma_start3A_76] : memref<320000x128xf32, #tpu.memory_space<hbm>> -> memref<80x128xf32, #tpu.memory_space<hbm>>
        %dma_start3A_78 = arith.constant 0 : i32
        %dma_start3A_79 = tpu.memref_slice %arg4[%add3A_75, %dma_start3A_78] : memref<320000x128xf32, #tpu.memory_space<hbm>> -> memref<80x128xf32, #tpu.memory_space<hbm>>
        tpu.enqueue_dma source(%arg6 : memref<80x128xf32, #tpu.memory_space<vmem>>) target(%dma_start3A_79 : memref<80x128xf32, #tpu.memory_space<hbm>>) target_semaphore(%arg12 : memref<!tpu.dma_semaphore, #tpu.memory_space<semaphore_mem>>)
      } else {
      }
      %mul3A_42 = arith.constant 3 : i32
      %mul3A_43 = arith.muli %scan3A_33, %mul3A_42 : i32
      %add3A_44 = arith.constant 1 : i32
      %add3A_45 = arith.addi %mul3A_43, %add3A_44 : i32
      %lt3A_46 = arith.constant 125 : i32
      %lt3A_47 = arith.cmpi slt, %add3A_45, %lt3A_46 : i32
      %convert_element_type3A_48 = arith.extui %lt3A_47 : i1 to i32
      %cond3A_49 = arith.constant 0 : i32
      %cond3A_50 = arith.cmpi ne, %convert_element_type3A_48, %cond3A_49 : i32
      scf.if %cond3A_50 {
        %dma_wait3A_60 = arith.constant 0 : i32
        %dma_wait3A_61 = tpu.memref_slice %arg5[%add3A_45, %dma_wait3A_60] : memref<125x80xi32, #tpu.memory_space<vmem>> -> memref<1x80xi32, #tpu.memory_space<vmem>>
        %dma_wait3A_62 = tpu.memref_squeeze %dma_wait3A_61 : memref<1x80xi32, #tpu.memory_space<vmem>> -> memref<80xi32, #tpu.memory_space<vmem>>
        %dma_wait3A_63 = arith.constant 0 : i32
        %dma_wait3A_64 = arith.constant 0 : i32
        %dma_wait3A_65 = tpu.memref_slice %arg15[%dma_wait3A_63, %dma_wait3A_64] : memref<10000x128xf32, #tpu.memory_space<vmem_shared>> -> memref<10000x128xf32, #tpu.memory_space<vmem_shared>>
        tpu.wait_indirect_dma semaphore(%arg10 : memref<!tpu.dma_semaphore, #tpu.memory_space<semaphore_mem>>) src(%dma_wait3A_65 : memref<10000x128xf32, #tpu.memory_space<vmem_shared>>) dst(%arg7 : memref<80x128xf32, #tpu.memory_space<vmem>>)
        %add3A_66 = arith.constant 1 : i32
        %add3A_67 = arith.addi %add3A_45, %add3A_66 : i32
        %lt3A_68 = arith.constant 125 : i32
        %lt3A_69 = arith.cmpi slt, %add3A_67, %lt3A_68 : i32
        %convert_element_type3A_70 = arith.extui %lt3A_69 : i1 to i32
        %cond3A_71 = arith.constant 0 : i32
        %cond3A_72 = arith.cmpi ne, %convert_element_type3A_70, %cond3A_71 : i32
        scf.if %cond3A_72 {
          %ge3A = arith.constant 2 : i32
          %ge3A_80 = arith.cmpi sge, %add3A_45, %ge3A : i32
          %convert_element_type3A_81 = arith.extui %ge3A_80 : i1 to i32
          %cond3A_82 = arith.constant 0 : i32
          %cond3A_83 = arith.cmpi ne, %convert_element_type3A_81, %cond3A_82 : i32
          scf.if %cond3A_83 {
            %sub3A = arith.constant 2 : i32
            %sub3A_92 = arith.subi %add3A_45, %sub3A : i32
            %mul3A_93 = arith.constant 80 : i32
            %mul3A_94 = arith.muli %sub3A_92, %mul3A_93 : i32
            %add3A_95 = arith.addi %mul3A_4, %mul3A_94 : i32
            %dma_wait3A_96 = arith.constant 0 : i32
            %dma_wait3A_97 = tpu.memref_slice %arg4[%add3A_95, %dma_wait3A_96] : memref<320000x128xf32, #tpu.memory_space<hbm>> -> memref<80x128xf32, #tpu.memory_space<hbm>>
            %dma_wait3A_98 = arith.constant 0 : i32
            %dma_wait3A_99 = tpu.memref_slice %arg4[%add3A_95, %dma_wait3A_98] : memref<320000x128xf32, #tpu.memory_space<hbm>> -> memref<80x128xf32, #tpu.memory_space<hbm>>
            tpu.wait_dma2 semaphore(%arg14 : memref<!tpu.dma_semaphore, #tpu.memory_space<semaphore_mem>>) src(%arg8 : memref<80x128xf32, #tpu.memory_space<vmem>>) dst(%dma_wait3A_99 : memref<80x128xf32, #tpu.memory_space<hbm>>)
          } else {
          }
          %add3A_84 = arith.constant 1 : i32
          %add3A_85 = arith.addi %add3A_45, %add3A_84 : i32
          %dma_start3A_86 = arith.constant 0 : i32
          %dma_start3A_87 = tpu.memref_slice %arg5[%add3A_85, %dma_start3A_86] : memref<125x80xi32, #tpu.memory_space<vmem>> -> memref<1x80xi32, #tpu.memory_space<vmem>>
          %dma_start3A_88 = tpu.memref_squeeze %dma_start3A_87 : memref<1x80xi32, #tpu.memory_space<vmem>> -> memref<80xi32, #tpu.memory_space<vmem>>
          %dma_start3A_89 = arith.constant 0 : i32
          %dma_start3A_90 = arith.constant 0 : i32
          %dma_start3A_91 = tpu.memref_slice %arg15[%dma_start3A_89, %dma_start3A_90] : memref<10000x128xf32, #tpu.memory_space<vmem_shared>> -> memref<10000x128xf32, #tpu.memory_space<vmem_shared>>
          tpu.enqueue_indirect_dma source(%dma_start3A_91 : memref<10000x128xf32, #tpu.memory_space<vmem_shared>>) target(%arg8 : memref<80x128xf32, #tpu.memory_space<vmem>>) offsets(%dma_start3A_88 : memref<80xi32, #tpu.memory_space<vmem>>) semaphore(%arg11 : memref<!tpu.dma_semaphore, #tpu.memory_space<semaphore_mem>>)
        } else {
        }
        %mul3A_73 = arith.constant 80 : i32
        %mul3A_74 = arith.muli %add3A_45, %mul3A_73 : i32
        %add3A_75 = arith.addi %mul3A_4, %mul3A_74 : i32
        %dma_start3A_76 = arith.constant 0 : i32
        %dma_start3A_77 = tpu.memref_slice %arg4[%add3A_75, %dma_start3A_76] : memref<320000x128xf32, #tpu.memory_space<hbm>> -> memref<80x128xf32, #tpu.memory_space<hbm>>
        %dma_start3A_78 = arith.constant 0 : i32
        %dma_start3A_79 = tpu.memref_slice %arg4[%add3A_75, %dma_start3A_78] : memref<320000x128xf32, #tpu.memory_space<hbm>> -> memref<80x128xf32, #tpu.memory_space<hbm>>
        tpu.enqueue_dma source(%arg7 : memref<80x128xf32, #tpu.memory_space<vmem>>) target(%dma_start3A_79 : memref<80x128xf32, #tpu.memory_space<hbm>>) target_semaphore(%arg13 : memref<!tpu.dma_semaphore, #tpu.memory_space<semaphore_mem>>)
      } else {
      }
      %mul3A_51 = arith.constant 3 : i32
      %mul3A_52 = arith.muli %scan3A_33, %mul3A_51 : i32
      %add3A_53 = arith.constant 2 : i32
      %add3A_54 = arith.addi %mul3A_52, %add3A_53 : i32
      %lt3A_55 = arith.constant 125 : i32
      %lt3A_56 = arith.cmpi slt, %add3A_54, %lt3A_55 : i32
      %convert_element_type3A_57 = arith.extui %lt3A_56 : i1 to i32
      %cond3A_58 = arith.constant 0 : i32
      %cond3A_59 = arith.cmpi ne, %convert_element_type3A_57, %cond3A_58 : i32
      scf.if %cond3A_59 {
        %dma_wait3A_60 = arith.constant 0 : i32
        %dma_wait3A_61 = tpu.memref_slice %arg5[%add3A_54, %dma_wait3A_60] : memref<125x80xi32, #tpu.memory_space<vmem>> -> memref<1x80xi32, #tpu.memory_space<vmem>>
        %dma_wait3A_62 = tpu.memref_squeeze %dma_wait3A_61 : memref<1x80xi32, #tpu.memory_space<vmem>> -> memref<80xi32, #tpu.memory_space<vmem>>
        %dma_wait3A_63 = arith.constant 0 : i32
        %dma_wait3A_64 = arith.constant 0 : i32
        %dma_wait3A_65 = tpu.memref_slice %arg15[%dma_wait3A_63, %dma_wait3A_64] : memref<10000x128xf32, #tpu.memory_space<vmem_shared>> -> memref<10000x128xf32, #tpu.memory_space<vmem_shared>>
        tpu.wait_indirect_dma semaphore(%arg11 : memref<!tpu.dma_semaphore, #tpu.memory_space<semaphore_mem>>) src(%dma_wait3A_65 : memref<10000x128xf32, #tpu.memory_space<vmem_shared>>) dst(%arg8 : memref<80x128xf32, #tpu.memory_space<vmem>>)
        %add3A_66 = arith.constant 1 : i32
        %add3A_67 = arith.addi %add3A_54, %add3A_66 : i32
        %lt3A_68 = arith.constant 125 : i32
        %lt3A_69 = arith.cmpi slt, %add3A_67, %lt3A_68 : i32
        %convert_element_type3A_70 = arith.extui %lt3A_69 : i1 to i32
        %cond3A_71 = arith.constant 0 : i32
        %cond3A_72 = arith.cmpi ne, %convert_element_type3A_70, %cond3A_71 : i32
        scf.if %cond3A_72 {
          %ge3A = arith.constant 2 : i32
          %ge3A_80 = arith.cmpi sge, %add3A_54, %ge3A : i32
          %convert_element_type3A_81 = arith.extui %ge3A_80 : i1 to i32
          %cond3A_82 = arith.constant 0 : i32
          %cond3A_83 = arith.cmpi ne, %convert_element_type3A_81, %cond3A_82 : i32
          scf.if %cond3A_83 {
            %sub3A = arith.constant 2 : i32
            %sub3A_92 = arith.subi %add3A_54, %sub3A : i32
            %mul3A_93 = arith.constant 80 : i32
            %mul3A_94 = arith.muli %sub3A_92, %mul3A_93 : i32
            %add3A_95 = arith.addi %mul3A_4, %mul3A_94 : i32
            %dma_wait3A_96 = arith.constant 0 : i32
            %dma_wait3A_97 = tpu.memref_slice %arg4[%add3A_95, %dma_wait3A_96] : memref<320000x128xf32, #tpu.memory_space<hbm>> -> memref<80x128xf32, #tpu.memory_space<hbm>>
            %dma_wait3A_98 = arith.constant 0 : i32
            %dma_wait3A_99 = tpu.memref_slice %arg4[%add3A_95, %dma_wait3A_98] : memref<320000x128xf32, #tpu.memory_space<hbm>> -> memref<80x128xf32, #tpu.memory_space<hbm>>
            tpu.wait_dma2 semaphore(%arg12 : memref<!tpu.dma_semaphore, #tpu.memory_space<semaphore_mem>>) src(%arg6 : memref<80x128xf32, #tpu.memory_space<vmem>>) dst(%dma_wait3A_99 : memref<80x128xf32, #tpu.memory_space<hbm>>)
          } else {
          }
          %add3A_84 = arith.constant 1 : i32
          %add3A_85 = arith.addi %add3A_54, %add3A_84 : i32
          %dma_start3A_86 = arith.constant 0 : i32
          %dma_start3A_87 = tpu.memref_slice %arg5[%add3A_85, %dma_start3A_86] : memref<125x80xi32, #tpu.memory_space<vmem>> -> memref<1x80xi32, #tpu.memory_space<vmem>>
          %dma_start3A_88 = tpu.memref_squeeze %dma_start3A_87 : memref<1x80xi32, #tpu.memory_space<vmem>> -> memref<80xi32, #tpu.memory_space<vmem>>
          %dma_start3A_89 = arith.constant 0 : i32
          %dma_start3A_90 = arith.constant 0 : i32
          %dma_start3A_91 = tpu.memref_slice %arg15[%dma_start3A_89, %dma_start3A_90] : memref<10000x128xf32, #tpu.memory_space<vmem_shared>> -> memref<10000x128xf32, #tpu.memory_space<vmem_shared>>
          tpu.enqueue_indirect_dma source(%dma_start3A_91 : memref<10000x128xf32, #tpu.memory_space<vmem_shared>>) target(%arg6 : memref<80x128xf32, #tpu.memory_space<vmem>>) offsets(%dma_start3A_88 : memref<80xi32, #tpu.memory_space<vmem>>) semaphore(%arg9 : memref<!tpu.dma_semaphore, #tpu.memory_space<semaphore_mem>>)
        } else {
        }
        %mul3A_73 = arith.constant 80 : i32
        %mul3A_74 = arith.muli %add3A_54, %mul3A_73 : i32
        %add3A_75 = arith.addi %mul3A_4, %mul3A_74 : i32
        %dma_start3A_76 = arith.constant 0 : i32
        %dma_start3A_77 = tpu.memref_slice %arg4[%add3A_75, %dma_start3A_76] : memref<320000x128xf32, #tpu.memory_space<hbm>> -> memref<80x128xf32, #tpu.memory_space<hbm>>
        %dma_start3A_78 = arith.constant 0 : i32
        %dma_start3A_79 = tpu.memref_slice %arg4[%add3A_75, %dma_start3A_78] : memref<320000x128xf32, #tpu.memory_space<hbm>> -> memref<80x128xf32, #tpu.memory_space<hbm>>
        tpu.enqueue_dma source(%arg8 : memref<80x128xf32, #tpu.memory_space<vmem>>) target(%dma_start3A_79 : memref<80x128xf32, #tpu.memory_space<hbm>>) target_semaphore(%arg14 : memref<!tpu.dma_semaphore, #tpu.memory_space<semaphore_mem>>)
      } else {
      }
    }
    %scan3A_15 = arith.constant 42 : i32
    %add3A_16 = arith.constant 9760 : i32
    %add3A_17 = arith.addi %mul3A_4, %add3A_16 : i32
    %dma_wait3A = arith.constant 0 : i32
    %dma_wait3A_18 = tpu.memref_slice %arg4[%add3A_17, %dma_wait3A] : memref<320000x128xf32, #tpu.memory_space<hbm>> -> memref<80x128xf32, #tpu.memory_space<hbm>>
    %dma_wait3A_19 = arith.constant 0 : i32
    %dma_wait3A_20 = tpu.memref_slice %arg4[%add3A_17, %dma_wait3A_19] : memref<320000x128xf32, #tpu.memory_space<hbm>> -> memref<80x128xf32, #tpu.memory_space<hbm>>
    tpu.wait_dma2 semaphore(%arg14 : memref<!tpu.dma_semaphore, #tpu.memory_space<semaphore_mem>>) src(%arg8 : memref<80x128xf32, #tpu.memory_space<vmem>>) dst(%dma_wait3A_20 : memref<80x128xf32, #tpu.memory_space<hbm>>)
    %add3A_21 = arith.constant 9840 : i32
    %add3A_22 = arith.addi %mul3A_4, %add3A_21 : i32
    %dma_wait3A_23 = arith.constant 0 : i32
    %dma_wait3A_24 = tpu.memref_slice %arg4[%add3A_22, %dma_wait3A_23] : memref<320000x128xf32, #tpu.memory_space<hbm>> -> memref<80x128xf32, #tpu.memory_space<hbm>>
    %dma_wait3A_25 = arith.constant 0 : i32
    %dma_wait3A_26 = tpu.memref_slice %arg4[%add3A_22, %dma_wait3A_25] : memref<320000x128xf32, #tpu.memory_space<hbm>> -> memref<80x128xf32, #tpu.memory_space<hbm>>
    tpu.wait_dma2 semaphore(%arg12 : memref<!tpu.dma_semaphore, #tpu.memory_space<semaphore_mem>>) src(%arg6 : memref<80x128xf32, #tpu.memory_space<vmem>>) dst(%dma_wait3A_26 : memref<80x128xf32, #tpu.memory_space<hbm>>)
    %add3A_27 = arith.constant 9920 : i32
    %add3A_28 = arith.addi %mul3A_4, %add3A_27 : i32
    %dma_wait3A_29 = arith.constant 0 : i32
    %dma_wait3A_30 = tpu.memref_slice %arg4[%add3A_28, %dma_wait3A_29] : memref<320000x128xf32, #tpu.memory_space<hbm>> -> memref<80x128xf32, #tpu.memory_space<hbm>>
    %dma_wait3A_31 = arith.constant 0 : i32
    %dma_wait3A_32 = tpu.memref_slice %arg4[%add3A_28, %dma_wait3A_31] : memref<320000x128xf32, #tpu.memory_space<hbm>> -> memref<80x128xf32, #tpu.memory_space<hbm>>
    tpu.wait_dma2 semaphore(%arg13 : memref<!tpu.dma_semaphore, #tpu.memory_space<semaphore_mem>>) src(%arg7 : memref<80x128xf32, #tpu.memory_space<vmem>>) dst(%dma_wait3A_32 : memref<80x128xf32, #tpu.memory_space<hbm>>)
    return
  }
}

module attributes {stable_mosaic.version = 14 : i64} {
  func.func @_hm_body(%arg0: i32, %arg1: memref<1000x128xf32, #tpu.memory_space<vmem>>, %arg2: memref<128x128xf32, #tpu.memory_space<vmem>>, %arg3: memref<1x128xf32, #tpu.memory_space<vmem>>, %arg4: memref<256x128xf32, #tpu.memory_space<vmem>>, %arg5: memref<1x128xf32, #tpu.memory_space<vmem>>, %arg6: memref<1000x128xf32, #tpu.memory_space<vmem>>) attributes {dimension_semantics = [#tpu.dimension_semantics<arbitrary>], iteration_bounds = array<i64: 10>, scalar_prefetch = 0 : i64, scratch_operands = 0 : i64, tpu.core_type = #tpu.core_type<tc>, window_params = [{transform_indices = @transform_0, window_bounds = array<i64: 1000, 128>}, {pipeline_mode = #tpu.pipeline_mode<synchronous>, transform_indices = @transform_1, window_bounds = array<i64: 128, 128>}, {pipeline_mode = #tpu.pipeline_mode<synchronous>, transform_indices = @transform_2, window_bounds = array<i64: 1, 128>}, {pipeline_mode = #tpu.pipeline_mode<synchronous>, transform_indices = @transform_3, window_bounds = array<i64: 256, 128>}, {pipeline_mode = #tpu.pipeline_mode<synchronous>, transform_indices = @transform_4, window_bounds = array<i64: 1, 128>}, {transform_indices = @transform_5, window_bounds = array<i64: 1000, 128>}]} {
    %get3A = arith.constant 0 : index
    %get3A_0 = arith.constant 0 : index
    %get3A_1 = vector.load %arg1[%get3A, %get3A_0] : memref<1000x128xf32, #tpu.memory_space<vmem>>, vector<1000x128xf32>
    %get3A_2 = arith.constant 0 : index
    %get3A_3 = arith.constant 0 : index
    %get3A_4 = vector.load %arg2[%get3A_2, %get3A_3] : memref<128x128xf32, #tpu.memory_space<vmem>>, vector<128x128xf32>
    %dot_general3A = arith.constant dense<0.000000e+00> : vector<1000x128xf32>
    %dot_general3A_5 = tpu.matmul %get3A_1, %get3A_4, %dot_general3A {dimension_numbers = #tpu.dot_dimension_numbers<[1], [0], [0], [1], [0, 0, 1, 1], [], []>, transpose_lhs_hint = false} : vector<1000x128xf32>, vector<128x128xf32>, vector<1000x128xf32> -> vector<1000x128xf32>
    %get3A_6 = arith.constant 0 : index
    %get3A_7 = arith.constant 0 : index
    %get3A_8 = vector.load %arg3[%get3A_6, %get3A_7] : memref<1x128xf32, #tpu.memory_space<vmem>>, vector<1x128xf32>
    %add3A = vector.broadcast %get3A_8 : vector<1x128xf32> to vector<1000x128xf32>
    %add3A_9 = arith.addf %dot_general3A_5, %add3A : vector<1000x128xf32>
    %get3A_10 = arith.constant 0 : index
    %get3A_11 = arith.constant 0 : index
    %get3A_12 = vector.load %arg4[%get3A_10, %get3A_11] : memref<256x128xf32, #tpu.memory_space<vmem>>, vector<128x128xf32>
    %dot_general3A_13 = arith.constant dense<0.000000e+00> : vector<1000x128xf32>
    %dot_general3A_14 = tpu.matmul %add3A_9, %get3A_12, %dot_general3A_13 {dimension_numbers = #tpu.dot_dimension_numbers<[1], [0], [0], [1], [0, 0, 1, 1], [], []>, transpose_lhs_hint = false} : vector<1000x128xf32>, vector<128x128xf32>, vector<1000x128xf32> -> vector<1000x128xf32>
    %get3A_15 = arith.constant 0 : index
    %get3A_16 = arith.constant 0 : index
    %get3A_17 = vector.load %arg5[%get3A_15, %get3A_16] : memref<1x128xf32, #tpu.memory_space<vmem>>, vector<1x128xf32>
    %add3A_18 = vector.broadcast %get3A_17 : vector<1x128xf32> to vector<1000x128xf32>
    %add3A_19 = arith.addf %dot_general3A_14, %add3A_18 : vector<1000x128xf32>
    %swap3A = arith.constant 0 : index
    %swap3A_20 = arith.constant 0 : index
    %swap3A_21 = vector.load %arg6[%swap3A, %swap3A_20] : memref<1000x128xf32, #tpu.memory_space<vmem>>, vector<1000x128xf32>
    tpu.vector_store %arg6[%swap3A, %swap3A_20], %add3A_19 {strides = array<i32>} : memref<1000x128xf32, #tpu.memory_space<vmem>>, vector<1000x128xf32>,
    return
  }
  func.func @transform_0(%arg0: i32) -> (i32, i32) {
    %c0_i32 = arith.constant 0 : i32
    %c0_i32_0 = arith.constant 0 : i32
    return %arg0, %c0_i32 : i32, i32
  }
  func.func @transform_1(%arg0: i32) -> (i32, i32) {
    %c0_i32 = arith.constant 0 : i32
    %c0_i32_0 = arith.constant 0 : i32
    %c0_i32_1 = arith.constant 0 : i32
    return %c0_i32, %c0_i32_0 : i32, i32
  }
  func.func @transform_2(%arg0: i32) -> (i32, i32) {
    %c0_i32 = arith.constant 0 : i32
    %c0_i32_0 = arith.constant 0 : i32
    %c0_i32_1 = arith.constant 0 : i32
    return %c0_i32, %c0_i32_0 : i32, i32
  }
  func.func @transform_3(%arg0: i32) -> (i32, i32) {
    %c0_i32 = arith.constant 0 : i32
    %c0_i32_0 = arith.constant 0 : i32
    %c0_i32_1 = arith.constant 0 : i32
    return %c0_i32, %c0_i32_0 : i32, i32
  }
  func.func @transform_4(%arg0: i32) -> (i32, i32) {
    %c0_i32 = arith.constant 0 : i32
    %c0_i32_0 = arith.constant 0 : i32
    %c0_i32_1 = arith.constant 0 : i32
    return %c0_i32, %c0_i32_0 : i32, i32
  }
  func.func @transform_5(%arg0: i32) -> (i32, i32) {
    %c0_i32 = arith.constant 0 : i32
    %c0_i32_0 = arith.constant 0 : i32
    return %arg0, %c0_i32 : i32, i32
  }
}

module attributes {stable_mosaic.version = 14 : i64} {
  func.func @_prep_body(%arg0: memref<256x128xf32, #tpu.memory_space<vmem>>, %arg1: memref<16x128xf32, #tpu.memory_space<vmem>>, %arg2: memref<1x128xf32, #tpu.memory_space<vmem>>, %arg3: memref<1x128xf32, #tpu.memory_space<vmem>>, %arg4: memref<128x128xf32, #tpu.memory_space<vmem>>, %arg5: memref<256x128xf32, #tpu.memory_space<vmem>>, %arg6: memref<1x128xf32, #tpu.memory_space<vmem>>, %arg7: memref<16x128xf32, #tpu.memory_space<vmem>>, %arg8: memref<1x128xf32, #tpu.memory_space<vmem>>, %arg9: memref<128x128xf32, #tpu.memory_space<vmem>>, %arg10: memref<1x128xf32, #tpu.memory_space<vmem>>) attributes {dimension_semantics = [], scalar_prefetch = 0 : i64, scratch_operands = 0 : i64, tpu.core_type = #tpu.core_type<tc>} {
    %get3A = arith.constant 128 : index
    %get3A_0 = arith.constant 0 : index
    %get3A_1 = vector.load %arg0[%get3A, %get3A_0] : memref<256x128xf32, #tpu.memory_space<vmem>>, vector<128x128xf32>
    %get3A_2 = arith.constant 128 : index
    %get3A_3 = arith.constant 0 : index
    %get3A_4 = vector.load %arg5[%get3A_2, %get3A_3] : memref<256x128xf32, #tpu.memory_space<vmem>>, vector<128x128xf32>
    %get3A_5 = arith.constant 0 : index
    %get3A_6 = arith.constant 0 : index
    %get3A_7 = vector.load %arg1[%get3A_5, %get3A_6] : memref<16x128xf32, #tpu.memory_space<vmem>>, vector<16x128xf32>
    %dot_general3A = arith.constant dense<0.000000e+00> : vector<16x128xf32>
    %dot_general3A_8 = tpu.matmul %get3A_7, %get3A_1, %dot_general3A {dimension_numbers = #tpu.dot_dimension_numbers<[1], [0], [0], [1], [0, 0, 1, 1], [], []>, transpose_lhs_hint = false} : vector<16x128xf32>, vector<128x128xf32>, vector<16x128xf32> -> vector<16x128xf32>
    %swap3A = arith.constant 0 : index
    %swap3A_9 = arith.constant 0 : index
    %swap3A_10 = vector.load %arg7[%swap3A, %swap3A_9] : memref<16x128xf32, #tpu.memory_space<vmem>>, vector<16x128xf32>
    tpu.vector_store %arg7[%swap3A, %swap3A_9], %dot_general3A_8 {strides = array<i32>} : memref<16x128xf32, #tpu.memory_space<vmem>>, vector<16x128xf32>,
    %get3A_11 = arith.constant 0 : index
    %get3A_12 = arith.constant 0 : index
    %get3A_13 = vector.load %arg3[%get3A_11, %get3A_12] : memref<1x128xf32, #tpu.memory_space<vmem>>, vector<1x128xf32>
    %get3A_14 = arith.constant 0 : index
    %get3A_15 = arith.constant 0 : index
    %get3A_16 = vector.load %arg2[%get3A_14, %get3A_15] : memref<1x128xf32, #tpu.memory_space<vmem>>, vector<1x128xf32>
    %dot_general3A_17 = arith.constant dense<0.000000e+00> : vector<1x128xf32>
    %dot_general3A_18 = tpu.matmul %get3A_16, %get3A_1, %dot_general3A_17 {dimension_numbers = #tpu.dot_dimension_numbers<[1], [0], [0], [1], [0, 0, 1, 1], [], []>, transpose_lhs_hint = false} : vector<1x128xf32>, vector<128x128xf32>, vector<1x128xf32> -> vector<1x128xf32>
    %add3A = arith.addf %get3A_13, %dot_general3A_18 : vector<1x128xf32>
    %swap3A_19 = arith.constant 0 : index
    %swap3A_20 = arith.constant 0 : index
    %swap3A_21 = vector.load %arg8[%swap3A_19, %swap3A_20] : memref<1x128xf32, #tpu.memory_space<vmem>>, vector<1x128xf32>
    tpu.vector_store %arg8[%swap3A_19, %swap3A_20], %add3A {strides = array<i32>} : memref<1x128xf32, #tpu.memory_space<vmem>>, vector<1x128xf32>,
    %get3A_22 = arith.constant 0 : index
    %get3A_23 = arith.constant 0 : index
    %get3A_24 = vector.load %arg4[%get3A_22, %get3A_23] : memref<128x128xf32, #tpu.memory_space<vmem>>, vector<128x128xf32>
    %dot_general3A_25 = arith.constant dense<0.000000e+00> : vector<128x128xf32>
    %dot_general3A_26 = tpu.matmul %get3A_24, %get3A_4, %dot_general3A_25 {dimension_numbers = #tpu.dot_dimension_numbers<[1], [0], [0], [1], [0, 0, 1, 1], [], []>, transpose_lhs_hint = false} : vector<128x128xf32>, vector<128x128xf32>, vector<128x128xf32> -> vector<128x128xf32>
    %swap3A_27 = arith.constant 0 : index
    %swap3A_28 = arith.constant 0 : index
    %swap3A_29 = vector.load %arg9[%swap3A_27, %swap3A_28] : memref<128x128xf32, #tpu.memory_space<vmem>>, vector<128x128xf32>
    tpu.vector_store %arg9[%swap3A_27, %swap3A_28], %dot_general3A_26 {strides = array<i32>} : memref<128x128xf32, #tpu.memory_space<vmem>>, vector<128x128xf32>,
    %get3A_30 = arith.constant 0 : index
    %get3A_31 = arith.constant 0 : index
    %get3A_32 = vector.load %arg6[%get3A_30, %get3A_31] : memref<1x128xf32, #tpu.memory_space<vmem>>, vector<1x128xf32>
    %dot_general3A_33 = arith.constant dense<0.000000e+00> : vector<1x128xf32>
    %dot_general3A_34 = tpu.matmul %get3A_32, %get3A_4, %dot_general3A_33 {dimension_numbers = #tpu.dot_dimension_numbers<[1], [0], [0], [1], [0, 0, 1, 1], [], []>, transpose_lhs_hint = false} : vector<1x128xf32>, vector<128x128xf32>, vector<1x128xf32> -> vector<1x128xf32>
    %swap3A_35 = arith.constant 0 : index
    %swap3A_36 = arith.constant 0 : index
    %swap3A_37 = vector.load %arg10[%swap3A_35, %swap3A_36] : memref<1x128xf32, #tpu.memory_space<vmem>>, vector<1x128xf32>
    tpu.vector_store %arg10[%swap3A_35, %swap3A_36], %dot_general3A_34 {strides = array<i32>} : memref<1x128xf32, #tpu.memory_space<vmem>>, vector<1x128xf32>,
    return
  }
}

module attributes {stable_mosaic.version = 14 : i64} {
  func.func @_edge_body(%arg0: i32, %arg1: memref<5000x128xf32, #tpu.memory_space<vmem>>, %arg2: memref<5000x16xf32, #tpu.memory_space<vmem>>, %arg3: memref<16x128xf32, #tpu.memory_space<vmem>>, %arg4: memref<5000x128xf32, #tpu.memory_space<vmem>>) attributes {dimension_semantics = [#tpu.dimension_semantics<arbitrary>], iteration_bounds = array<i64: 64>, scalar_prefetch = 0 : i64, scratch_operands = 0 : i64, tpu.core_type = #tpu.core_type<tc>, window_params = [{transform_indices = @transform_0, window_bounds = array<i64: 5000, 128>}, {transform_indices = @transform_1, window_bounds = array<i64: 5000, 16>}, {pipeline_mode = #tpu.pipeline_mode<synchronous>, transform_indices = @transform_2, window_bounds = array<i64: 16, 128>}, {transform_indices = @transform_3, window_bounds = array<i64: 5000, 128>}]} {
    %get3A = arith.constant 0 : index
    %get3A_0 = arith.constant 0 : index
    %get3A_1 = vector.load %arg1[%get3A, %get3A_0] : memref<5000x128xf32, #tpu.memory_space<vmem>>, vector<5000x128xf32>
    %get3A_2 = arith.constant 0 : index
    %get3A_3 = arith.constant 0 : index
    %get3A_4 = vector.load %arg2[%get3A_2, %get3A_3] : memref<5000x16xf32, #tpu.memory_space<vmem>>, vector<5000x16xf32>
    %get3A_5 = arith.constant 0 : index
    %get3A_6 = arith.constant 0 : index
    %get3A_7 = vector.load %arg3[%get3A_5, %get3A_6] : memref<16x128xf32, #tpu.memory_space<vmem>>, vector<16x128xf32>
    %dot_general3A = arith.constant dense<0.000000e+00> : vector<5000x128xf32>
    %dot_general3A_8 = tpu.matmul %get3A_4, %get3A_7, %dot_general3A {dimension_numbers = #tpu.dot_dimension_numbers<[1], [0], [0], [1], [0, 0, 1, 1], [], []>, transpose_lhs_hint = false} : vector<5000x16xf32>, vector<16x128xf32>, vector<5000x128xf32> -> vector<5000x128xf32>
    %add3A = arith.addf %get3A_1, %dot_general3A_8 : vector<5000x128xf32>
    %max3A = arith.constant 0.000000e+00 : f32
    %max3A_9 = vector.broadcast %max3A : f32 to vector<5000x128xf32>
    %max3A_10 = arith.maximumf %add3A, %max3A_9 : vector<5000x128xf32>
    %swap3A = arith.constant 0 : index
    %swap3A_11 = arith.constant 0 : index
    %swap3A_12 = vector.load %arg4[%swap3A, %swap3A_11] : memref<5000x128xf32, #tpu.memory_space<vmem>>, vector<5000x128xf32>
    tpu.vector_store %arg4[%swap3A, %swap3A_11], %max3A_10 {strides = array<i32>} : memref<5000x128xf32, #tpu.memory_space<vmem>>, vector<5000x128xf32>,
    return
  }
  func.func @transform_0(%arg0: i32) -> (i32, i32) {
    %c0_i32 = arith.constant 0 : i32
    %c0_i32_0 = arith.constant 0 : i32
    return %arg0, %c0_i32 : i32, i32
  }
  func.func @transform_1(%arg0: i32) -> (i32, i32) {
    %c0_i32 = arith.constant 0 : i32
    %c0_i32_0 = arith.constant 0 : i32
    return %arg0, %c0_i32 : i32, i32
  }
  func.func @transform_2(%arg0: i32) -> (i32, i32) {
    %c0_i32 = arith.constant 0 : i32
    %c0_i32_0 = arith.constant 0 : i32
    %c0_i32_1 = arith.constant 0 : i32
    return %c0_i32, %c0_i32_0 : i32, i32
  }
  func.func @transform_3(%arg0: i32) -> (i32, i32) {
    %c0_i32 = arith.constant 0 : i32
    %c0_i32_0 = arith.constant 0 : i32
    return %arg0, %c0_i32 : i32, i32
  }
}

module attributes {stable_mosaic.version = 14 : i64} {
  func.func @_degterm_body(%arg0: memref<32x10016xf32, #tpu.memory_space<vmem>>, %arg1: memref<1x128xf32, #tpu.memory_space<vmem>>, %arg2: memref<10016x128xf32, #tpu.memory_space<vmem>>) attributes {dimension_semantics = [], scalar_prefetch = 0 : i64, scratch_operands = 0 : i64, tpu.core_type = #tpu.core_type<tc>} {
    %get3A = arith.constant 0 : index
    %get3A_0 = arith.constant 0 : index
    %get3A_1 = vector.load %arg1[%get3A, %get3A_0] : memref<1x128xf32, #tpu.memory_space<vmem>>, vector<1x128xf32>
    %broadcast_in_dim3A = vector.shape_cast %get3A_1 : vector<1x128xf32> to vector<1x128xf32>
    %broadcast_in_dim3A_2 = vector.broadcast %broadcast_in_dim3A : vector<1x128xf32> to vector<32x128xf32>
    %get3A_3 = arith.constant 0 : index
    %get3A_4 = arith.constant 0 : index
    %get3A_5 = vector.load %arg0[%get3A_3, %get3A_4] : memref<32x10016xf32, #tpu.memory_space<vmem>>, vector<32x10016xf32>
    %dot_general3A = arith.constant dense<0.000000e+00> : vector<10016x128xf32>
    %dot_general3A_6 = tpu.matmul %get3A_5, %broadcast_in_dim3A_2, %dot_general3A {dimension_numbers = #tpu.dot_dimension_numbers<[0], [0], [1], [1], [0, 1, 1, 1], [], []>, transpose_lhs_hint = false} : vector<32x10016xf32>, vector<32x128xf32>, vector<10016x128xf32> -> vector<10016x128xf32>
    %swap3A = arith.constant 0 : index
    %swap3A_7 = arith.constant 0 : index
    %swap3A_8 = vector.load %arg2[%swap3A, %swap3A_7] : memref<10016x128xf32, #tpu.memory_space<vmem>>, vector<10016x128xf32>
    tpu.vector_store %arg2[%swap3A, %swap3A_7], %dot_general3A_6 {strides = array<i32>} : memref<10016x128xf32, #tpu.memory_space<vmem>>, vector<10016x128xf32>,
    return
  }
}

module attributes {stable_mosaic.version = 14 : i64} {
  func.func @_post_body(%arg0: i32, %arg1: memref<1000x128xf32, #tpu.memory_space<vmem>>, %arg2: memref<2x1000x128xf32, #tpu.memory_space<vmem>>, %arg3: memref<1000x128xf32, #tpu.memory_space<vmem>>, %arg4: memref<256x128xf32, #tpu.memory_space<vmem>>, %arg5: memref<1x128xf32, #tpu.memory_space<vmem>>, %arg6: memref<128x128xf32, #tpu.memory_space<vmem>>, %arg7: memref<128x128xf32, #tpu.memory_space<vmem>>, %arg8: memref<1x128xf32, #tpu.memory_space<vmem>>, %arg9: memref<1000x128xf32, #tpu.memory_space<vmem>>) attributes {dimension_semantics = [#tpu.dimension_semantics<arbitrary>], iteration_bounds = array<i64: 10>, scalar_prefetch = 0 : i64, scratch_operands = 0 : i64, tpu.core_type = #tpu.core_type<tc>, window_params = [{transform_indices = @transform_0, window_bounds = array<i64: 1000, 128>}, {transform_indices = @transform_1, window_bounds = array<i64: 2, 1000, 128>}, {transform_indices = @transform_2, window_bounds = array<i64: 1000, 128>}, {pipeline_mode = #tpu.pipeline_mode<synchronous>, transform_indices = @transform_3, window_bounds = array<i64: 256, 128>}, {pipeline_mode = #tpu.pipeline_mode<synchronous>, transform_indices = @transform_4, window_bounds = array<i64: 1, 128>}, {pipeline_mode = #tpu.pipeline_mode<synchronous>, transform_indices = @transform_5, window_bounds = array<i64: 128, 128>}, {pipeline_mode = #tpu.pipeline_mode<synchronous>, transform_indices = @transform_6, window_bounds = array<i64: 128, 128>}, {pipeline_mode = #tpu.pipeline_mode<synchronous>, transform_indices = @transform_7, window_bounds = array<i64: 1, 128>}, {transform_indices = @transform_8, window_bounds = array<i64: 1000, 128>}]} {
    %get3A = arith.constant 0 : index
    %get3A_0 = arith.constant 0 : index
    %get3A_1 = arith.constant 0 : index
    %get3A_2 = vector.load %arg2[%get3A, %get3A_0, %get3A_1] : memref<2x1000x128xf32, #tpu.memory_space<vmem>>, vector<1x1000x128xf32>
    %get3A_3 = vector.shape_cast %get3A_2 : vector<1x1000x128xf32> to vector<1000x128xf32>
    %get3A_4 = arith.constant 1 : index
    %get3A_5 = arith.constant 0 : index
    %get3A_6 = arith.constant 0 : index
    %get3A_7 = vector.load %arg2[%get3A_4, %get3A_5, %get3A_6] : memref<2x1000x128xf32, #tpu.memory_space<vmem>>, vector<1x1000x128xf32>
    %get3A_8 = vector.shape_cast %get3A_7 : vector<1x1000x128xf32> to vector<1000x128xf32>
    %add3A = arith.addf %get3A_3, %get3A_8 : vector<1000x128xf32>
    %get3A_9 = arith.constant 0 : index
    %get3A_10 = arith.constant 0 : index
    %get3A_11 = vector.load %arg1[%get3A_9, %get3A_10] : memref<1000x128xf32, #tpu.memory_space<vmem>>, vector<1000x128xf32>
    %get3A_12 = arith.constant 0 : index
    %get3A_13 = arith.constant 0 : index
    %get3A_14 = vector.load %arg4[%get3A_12, %get3A_13] : memref<256x128xf32, #tpu.memory_space<vmem>>, vector<128x128xf32>
    %dot_general3A = arith.constant dense<0.000000e+00> : vector<1000x128xf32>
    %dot_general3A_15 = tpu.matmul %get3A_11, %get3A_14, %dot_general3A {dimension_numbers = #tpu.dot_dimension_numbers<[1], [0], [0], [1], [0, 0, 1, 1], [], []>, transpose_lhs_hint = false} : vector<1000x128xf32>, vector<128x128xf32>, vector<1000x128xf32> -> vector<1000x128xf32>
    %get3A_16 = arith.constant 0 : index
    %get3A_17 = arith.constant 0 : index
    %get3A_18 = vector.load %arg6[%get3A_16, %get3A_17] : memref<128x128xf32, #tpu.memory_space<vmem>>, vector<128x128xf32>
    %dot_general3A_19 = arith.constant dense<0.000000e+00> : vector<1000x128xf32>
    %dot_general3A_20 = tpu.matmul %add3A, %get3A_18, %dot_general3A_19 {dimension_numbers = #tpu.dot_dimension_numbers<[1], [0], [0], [1], [0, 0, 1, 1], [], []>, transpose_lhs_hint = false} : vector<1000x128xf32>, vector<128x128xf32>, vector<1000x128xf32> -> vector<1000x128xf32>
    %add3A_21 = arith.addf %dot_general3A_15, %dot_general3A_20 : vector<1000x128xf32>
    %get3A_22 = arith.constant 0 : index
    %get3A_23 = arith.constant 0 : index
    %get3A_24 = vector.load %arg3[%get3A_22, %get3A_23] : memref<1000x128xf32, #tpu.memory_space<vmem>>, vector<1000x128xf32>
    %add3A_25 = arith.addf %add3A_21, %get3A_24 : vector<1000x128xf32>
    %get3A_26 = arith.constant 0 : index
    %get3A_27 = arith.constant 0 : index
    %get3A_28 = vector.load %arg5[%get3A_26, %get3A_27] : memref<1x128xf32, #tpu.memory_space<vmem>>, vector<1x128xf32>
    %add3A_29 = vector.broadcast %get3A_28 : vector<1x128xf32> to vector<1000x128xf32>
    %add3A_30 = arith.addf %add3A_25, %add3A_29 : vector<1000x128xf32>
    %max3A = arith.constant 0.000000e+00 : f32
    %max3A_31 = vector.broadcast %max3A : f32 to vector<1000x128xf32>
    %max3A_32 = arith.maximumf %add3A_30, %max3A_31 : vector<1000x128xf32>
    %get3A_33 = arith.constant 0 : index
    %get3A_34 = arith.constant 0 : index
    %get3A_35 = vector.load %arg7[%get3A_33, %get3A_34] : memref<128x128xf32, #tpu.memory_space<vmem>>, vector<128x128xf32>
    %dot_general3A_36 = arith.constant dense<0.000000e+00> : vector<1000x128xf32>
    %dot_general3A_37 = tpu.matmul %max3A_32, %get3A_35, %dot_general3A_36 {dimension_numbers = #tpu.dot_dimension_numbers<[1], [0], [0], [1], [0, 0, 1, 1], [], []>, transpose_lhs_hint = false} : vector<1000x128xf32>, vector<128x128xf32>, vector<1000x128xf32> -> vector<1000x128xf32>
    %get3A_38 = arith.constant 0 : index
    %get3A_39 = arith.constant 0 : index
    %get3A_40 = vector.load %arg8[%get3A_38, %get3A_39] : memref<1x128xf32, #tpu.memory_space<vmem>>, vector<1x128xf32>
    %add3A_41 = vector.broadcast %get3A_40 : vector<1x128xf32> to vector<1000x128xf32>
    %add3A_42 = arith.addf %dot_general3A_37, %add3A_41 : vector<1000x128xf32>
    %swap3A = arith.constant 0 : index
    %swap3A_43 = arith.constant 0 : index
    %swap3A_44 = vector.load %arg9[%swap3A, %swap3A_43] : memref<1000x128xf32, #tpu.memory_space<vmem>>, vector<1000x128xf32>
    tpu.vector_store %arg9[%swap3A, %swap3A_43], %add3A_42 {strides = array<i32>} : memref<1000x128xf32, #tpu.memory_space<vmem>>, vector<1000x128xf32>,
    return
  }
  func.func @transform_0(%arg0: i32) -> (i32, i32) {
    %c0_i32 = arith.constant 0 : i32
    %c0_i32_0 = arith.constant 0 : i32
    return %arg0, %c0_i32 : i32, i32
  }
  func.func @transform_1(%arg0: i32) -> (i32, i32, i32) {
    %c0_i32 = arith.constant 0 : i32
    %c0_i32_0 = arith.constant 0 : i32
    %c0_i32_1 = arith.constant 0 : i32
    return %c0_i32, %arg0, %c0_i32_0 : i32, i32, i32
  }
  func.func @transform_2(%arg0: i32) -> (i32, i32) {
    %c0_i32 = arith.constant 0 : i32
    %c0_i32_0 = arith.constant 0 : i32
    return %arg0, %c0_i32 : i32, i32
  }
  func.func @transform_3(%arg0: i32) -> (i32, i32) {
    %c0_i32 = arith.constant 0 : i32
    %c0_i32_0 = arith.constant 0 : i32
    %c0_i32_1 = arith.constant 0 : i32
    return %c0_i32, %c0_i32_0 : i32, i32
  }
  func.func @transform_4(%arg0: i32) -> (i32, i32) {
    %c0_i32 = arith.constant 0 : i32
    %c0_i32_0 = arith.constant 0 : i32
    %c0_i32_1 = arith.constant 0 : i32
    return %c0_i32, %c0_i32_0 : i32, i32
  }
  func.func @transform_5(%arg0: i32) -> (i32, i32) {
    %c0_i32 = arith.constant 0 : i32
    %c0_i32_0 = arith.constant 0 : i32
    %c0_i32_1 = arith.constant 0 : i32
    return %c0_i32, %c0_i32_0 : i32, i32
  }
  func.func @transform_6(%arg0: i32) -> (i32, i32) {
    %c0_i32 = arith.constant 0 : i32
    %c0_i32_0 = arith.constant 0 : i32
    %c0_i32_1 = arith.constant 0 : i32
    return %c0_i32, %c0_i32_0 : i32, i32
  }
  func.func @transform_7(%arg0: i32) -> (i32, i32) {
    %c0_i32 = arith.constant 0 : i32
    %c0_i32_0 = arith.constant 0 : i32
    %c0_i32_1 = arith.constant 0 : i32
    return %c0_i32, %c0_i32_0 : i32, i32
  }
  func.func @transform_8(%arg0: i32) -> (i32, i32) {
    %c0_i32 = arith.constant 0 : i32
    %c0_i32_0 = arith.constant 0 : i32
    return %arg0, %c0_i32 : i32, i32
  }
}

</mosaic_0001>

<sc_bundles>
// kernel: kernel.12.cloned.1.call-start
scs
__scs_entry_jumppad:
0x0: {  	(pc) =	sbr.rel $0x88, $3  }
0x1: {  	(tag) =	ssettag $0x0;
	lr =	simm.s32 $0x1  }
0x2: {  	[smem:$0x3F92] =	sst lr;
	_ =	strace $0xD0000000  }
0x3: {  	_ = 	snop  }
0x4: {  	_ = 	snop  }
0x5: {  	_ = 	snop  }
0x6: {  	_ = 	snop  }
0x7: {  	_ = 	snop  }
__scs_overlays_trampoline_lowered:
0x8: {  	[smem:$0x3FA1] =	sst s0  }
0x9: {  	[smem:$0x3FA2] =	sst s1  }
0xa: {  	[smem:$0x3FA3] =	sst s2  }
0xb: {  	[smem:$0x3FA4] =	sst s3  }
0xc: {  	[smem:$0x3FA5] =	sst s4  }
0xd: {  	[smem:$0x3FA6] =	sst s5  }
0xe: {  	[smem:$0x3FA7] =	sst s6  }
0xf: {  	[smem:$0x3FA8] =	sst s7  }
0x10: {  	[smem:$0x3FA9] =	sst s8  }
0x11: {  	[smem:$0x3FAA] =	sst s9;
	s0 =	simm.s32 @!p0 $0x0  }
0x12: {  	s1 =	sld [smem:$0x3F90];
	s0 =	simm.s32 @p0 $0x1  }
0x13: {  	[smem:$0x3FAB] =	sst s0;
	s0 =	simm.s32 @!p1 $0x0  }
0x14: {  	s2 =	sld [smem:$0x3F8F];
	s0 =	simm.s32 @p1 $0x1  }
0x15: {  	[smem:$0x3FAC] =	sst s0;
	s0 =	simm.s32 @!p2 $0x0  }
0x16: {  	s3 =	sld [smem:$0x3FDB];
	s0 =	simm.s32 @p2 $0x1  }
0x17: {  	s4 =	simm.s32 $0x1BF5;
	[smem:$0x3FAE] =	sst s0  }
0x18: {  	s0 =	sld [smem:$0x3F91];
	_ =	swait.ge [sflag:s4], $0x0  }
0x19: {  	s7 =	sld [smem:$0x3F92]  }
0x1a: {  	s8 =	sadd.s32 $0xFFFFE003, lr  }
0x1b: {  	s9 =	sadd.s32 $0xFFFFFEF7, lr;
	s5 =	simm.s32 $0xFFFFFFFF;
	p2 =	slt.u32 s8, $0xFFFFF086  }
0x1c: {  	p1 =	slt.u32 s9, $0xF7A;
	s5 =	simm.s32 @!p2 $0x0  }
0x1d: {  	s5 =	simm.s32 @p1 $0x1;
	p0 =	seq.s32 s7, s2  }
0x1e: {  	s7 =	smul.u32 @!p0 $0xF7A, s2;
	p2 =	seq.s32 @!p0 s5, $0x0  }
0x1f: {  	s9 =	smul.u32 $0xF7A, s1;
	s8 =	simm.s32 @!p0 $0x1BF5;
	p2 =	por !p2, p0  }
0x20: {  	[sflag:s8] =	ssyncset.s32 @!p0 $0xFFFFF086;
	s6 =	sadd.s32 @!p0 s3, s7;
	s7 =	simm.s32 @!p0 $0x108  }
0x21: {  	s3 =	sadd.s32 s3, s9;
	s6 =	sadd.s32 @!p0 $0x88, s6;
	s7 =	simm.s32 @p2 $0x1082  }
0x22: {  	[simem:s7], [sflag:s8] =	dma.local @!p0 [hbm:s6], $0xF7A  }
0x23: {  	s9 =	sor.u32 $0xD0000000, s2;
	s6 =	simm.s32 $0x108;
	_ =	swait.ge @!p0 [sflag:s8], $0x0  }
0x24: {  	s3 =	sadd.s32 $0x88, s3;
	s6 =	simm.s32 @!p1 $0x1082;
	[sflag:s4] =	ssyncset.s32 $0xFFFFF086  }
0x25: {  	[simem:s6], [sflag:s4] =	dma.local [hbm:s3], $0xF7A  }
0x26: {  	[smem:$0x3F92] =	sst s1;
	(tag) =	ssettag s2;
	_ =	strace s9  }
0x27: {  	s1 =	sld [smem:$0x3FA2]  }
0x28: {  	s2 =	sld [smem:$0x3FA3]  }
0x29: {  	s4 =	sld [smem:$0x3FA5]  }
0x2a: {  	p0 =	seq.s32 s5, $0x0;
	s5 =	sld [smem:$0x3FA6]  }
0x2b: {  	s6 =	sld [smem:$0x3FA7]  }
0x2c: {  	s7 =	sld [smem:$0x3FA8]  }
0x2d: {  	s3 =	simm.s32 $0x108;
	s8 =	sld [smem:$0x3FA9]  }
0x2e: {  	s3 =	simm.s32 @!p0 $0x1082;
	s9 =	sld [smem:$0x3FAA]  }
0x2f: {  	lr =	sadd.s32 s0, s3;
	s0 =	sld [smem:$0x3FA1]  }
0x30: {  	s3 =	sld [smem:$0x3FA4]  }
0x31: {  	[smem:$0x3FAD] =	sst s10  }
0x32: {  	s10 =	sld [smem:$0x3FAB];
	_ =	sdelay $0x3  }
0x33: {  	p0 =	seq.s32 s10, $0x1;
	s10 =	sld [smem:$0x3FAD];
	_ =	sdelay $0x3  }
0x34: {  	[smem:$0x3FAD] =	sst s10  }
0x35: {  	s10 =	sld [smem:$0x3FAC];
	_ =	sdelay $0x3  }
0x36: {  	p1 =	seq.s32 s10, $0x1;
	s10 =	sld [smem:$0x3FAD];
	_ =	sdelay $0x3  }
0x37: {  	[smem:$0x3FAD] =	sst s10  }
0x38: {  	s10 =	sld [smem:$0x3FAE]  }
0x39: {  	_ = 	snop;
	(pc) =	sbr.ind lr, $3  }
0x3a: {  	_ = 	snop  }
0x3b: {  	_ = 	snop  }
0x3c: {  	p2 =	seq.s32 s10, $0x1;
	s10 =	sld [smem:$0x3FAD]  }
0x3d: {  	_ =	shalt  }
0x3e: {  	_ =	shalt  }
0x3f: {  	_ =	shalt  }
0x40: {  	_ =	shalt  }
0x41: {  	_ =	shalt  }
0x42: {  	_ =	shalt  }
0x43: {  	_ =	shalt  }
0x44: {  	_ =	shalt  }
0x45: {  	_ =	shalt  }
0x46: {  	_ =	shalt  }
0x47: {  	_ =	shalt  }
0x48: {  	_ =	shalt  }
0x49: {  	_ =	shalt  }
0x4a: {  	_ =	shalt  }
0x4b: {  	_ =	shalt  }
0x4c: {  	_ =	shalt  }
0x4d: {  	_ =	shalt  }
0x4e: {  	_ =	shalt  }
0x4f: {  	_ =	shalt  }
0x50: {  	_ =	shalt  }
0x51: {  	_ =	shalt  }
0x52: {  	_ =	shalt  }
0x53: {  	_ =	shalt  }
0x54: {  	_ =	shalt  }
0x55: {  	_ =	shalt  }
0x56: {  	_ =	shalt  }
0x57: {  	_ =	shalt  }
0x58: {  	_ =	shalt  }
0x59: {  	_ =	shalt  }
0x5a: {  	_ =	shalt  }
0x5b: {  	_ =	shalt  }
0x5c: {  	_ =	shalt  }
0x5d: {  	_ =	shalt  }
0x5e: {  	_ =	shalt  }
0x5f: {  	_ =	shalt  }
0x60: {  	_ =	shalt  }
0x61: {  	_ =	shalt  }
0x62: {  	_ =	shalt  }
0x63: {  	_ =	shalt  }
0x64: {  	_ =	shalt  }
0x65: {  	_ =	shalt  }
0x66: {  	_ =	shalt  }
0x67: {  	_ =	shalt  }
0x68: {  	_ =	shalt  }
0x69: {  	_ =	shalt  }
0x6a: {  	_ =	shalt  }
0x6b: {  	_ =	shalt  }
0x6c: {  	_ =	shalt  }
0x6d: {  	_ =	shalt  }
0x6e: {  	_ =	shalt  }
0x6f: {  	_ =	shalt  }
0x70: {  	_ =	shalt  }
0x71: {  	_ =	shalt  }
0x72: {  	_ =	shalt  }
0x73: {  	_ =	shalt  }
0x74: {  	_ =	shalt  }
0x75: {  	_ =	shalt  }
0x76: {  	_ =	shalt  }
0x77: {  	_ =	shalt  }
0x78: {  	_ =	shalt  }
0x79: {  	_ =	shalt  }
0x7a: {  	_ =	shalt  }
0x7b: {  	_ =	shalt  }
0x7c: {  	_ =	shalt  }
0x7d: {  	_ =	shalt  }
0x7e: {  	_ =	shalt  }
0x7f: {  	_ =	shalt  }
0x80: {  	_ =	shalt  }
0x81: {  	_ =	shalt  }
0x82: {  	_ =	shalt  }
0x83: {  	_ =	shalt  }
0x84: {  	_ =	shalt  }
0x85: {  	_ =	shalt  }
0x86: {  	_ =	shalt  }
0x87: {  	_ =	shalt  }
.Lfunc_end0:
.L_simem_size_0:
called_computation.1_lowered:
.L_overlay_start_0:
0x88: {  	s2 =	sld [smem:$0x3FD9]  }
0x89: {  	s3 =	sld [smem:$0x3FFE];
	_ =	sdelay $0x1  }
0x8a: {  	s1 =	srdreg.scid  }
0x8b: {  	s0 =	sand.u32 $0x1, s1  }
0x8c: {  	s17 =	sshll.u32 s0, $0xA;
	s2 =	sadd.s32 s3, s2  }
0x8d: {  	s2 =	sadd.s32 s2, s17  }
0x8e: {  	[smem:$0x3FB9] =	sst s2  }
0x8f: {  	_ = 	snop  }
0x90: {  	s2 =	sld [smem:$0x3FD0];
	(tm) =	ssettm $0x1  }
0x91: {  	s18 =	sld [smem:$0x3FFB];
	_ =	sdelay $0x3  }
0x92: {  	_ =	strace s18  }
0x93: {  	s3 =	sld [smem:$0x3FFC];
	_ =	sdelay $0x3  }
0x94: {  	_ =	strace s3  }
0x95: {  	s3 =	sld [smem:$0x3FFD];
	_ =	sdelay $0x3  }
0x96: {  	_ =	strace s3  }
0x97: {  	_ =	strace $0x8FFFFFFF  }
0x98: {  	s19 =	sld [smem:$0x3FDB];
	_ =	sdelay $0x1  }
0x99: {  	s4 =	simm.s32 $_scs_section_size  }
0x9a: {  	s5 =	simm.s32 $_size__tile_overlayer_lowered;
	s6 =	simm.s32 $_tile_overlayer_lowered  }
0x9b: {  	s22 =	simm.s32 $0x1BFF;
	s21 =	sshll.u32 s6, $0x1;
	s3 =	sadd.s32 s4, s19  }
0x9c: {  	s7 =	simm.s32 $0x0;
	s20 =	sshll.u32 s5, $0x1;
	s5 =	sadd.s32 s21, s3  }
0x9d: {  	[timem:s7], [sflag:s22] =	dma.local [hbm:s5], s20  }
0x9e: {  	_ =	swait.ge [sflag:s22], s20  }
0x9f: {  	s4 =	ssub.s32 $0x0, s20;
	[sflag:s22] =	ssyncset.done $0x0  }
0xa0: {  	[sflag:s22] =	ssyncadd.s32 s4;
	_ =	sdelay $0x1  }
0xa1: {  	s23 =	simm.s32 $0x1B8B  }
0xa2: {  	_ =	swait.ge [sflag:s23], $0x1  }
0xa3: {  	[sflag:s23] =	ssyncset.done $0x0  }
0xa4: {  	s25 =	simm.s32 $0x1B8E;
	s24 =	sld [smem:$0x3FFE];
	[sflag:s23] =	ssyncadd.s32 $0xFFFFFFFF  }
0xa5: {  	s26 =	simm.s32 $execute0_lowered;
	[smem:$0x3FD2] =	sst s25  }
0xa6: {  	s5 =	sshll.u32 s26, $0x1;
	_ =	strace $0x80000049;
	[dreg:$0x1] =	wrdreg $0xFFFFFFFF  }
0xa7: {  	s28 =	simm.s32 $_size_execute0_lowered;
	s3 =	sadd.s32 s3, s5;
	[dreg:$0x0] =	wrdreg $0x0  }
0xa8: {  	s5 =	sshll.u32 s28, $0x1;
	[dreg:$0x2] =	wrdreg s3  }
0xa9: {  	[dreg:$0x3] =	wrdreg s5  }
0xaa: {  	[dreg:$0x4] =	wrdreg $0xC0  }
0xab: {  	_ =	task [dreg:s7], $0x5FFFF  }
0xac: {  	[dreg:$0x1] =	wrdreg $0xFFFFFFFF  }
0xad: {  	[dreg:$0x0] =	wrdreg $0x60  }
0xae: {  	[dreg:$0x2] =	wrdreg s24  }
0xaf: {  	[dreg:$0x3] =	wrdreg s2  }
0xb0: {  	[dreg:$0x4] =	wrdreg $0xB7800  }
0xb1: {  	[dreg:$0x5] =	wrdreg $0x9  }
0xb2: {  	_ =	task.clear_ibuf [dreg:s7], $0x6FFFF;
	_ =	strace $0x90000049  }
0xb3: {  	s29 =	simm.s32 $0x9;
	_ =	strace $0x8000004B  }
0xb4: {  	_ =	swait.ge [sflag:s29], $0x1  }
0xb5: {  	[sflag:s29] =	ssyncadd.s32 $0xFFFFFFFF  }
0xb6: {  	_ =	strace $0x9000004B  }
0xb7: {  	_ =	sfence  }
0xb8: {  	s30 =	sld [smem:$0x0];
	_ =	sdelay $0x2  }
0xb9: {  	s31 =	sshll.u32 s1, $0xD;
	s1 =	sshrl.u32 s1, $0x2  }
0xba: {  	s3 =	sand.u32 $0x4000, s31;
	s1 =	sadd.s32 s1, s30  }
0xbb: {  	s0 =	sor.u32 s3, s0;
	s1 =	sshll.u32 s1, $0x11  }
0xbc: {  	s0 =	sor.u32 s1, s0  }
0xbd: {  	s0 =	sadd.s32 $0x8F2B, s0  }
0xbe: {  	[sflag:s0] =	ssyncadd.remote.s32 $0x1  }
0xbf: {  	_ =	sfence.sel $0xFFFF  }
0xc0: {  	[dreg:$0x0] =	wrdreg $0xFFFFFFFF;
	(pc) =	sbr.abs _section_cstart, $3  }
0xc1: {  	[dreg:$0x1] =	wrdreg $0xFFFFFFFF  }
0xc2: {  	_ =	task.clear_ibuf [dreg:s7], $0x2FFFF;
	_ =	strace $0x9FFFFFFF  }
0xc3: {  	(tm) =	ssettm $0x7FFFFFFF  }
tec
execute0_lowered:
.L_overlay_start_1:
0x0: {  	(tag) =	ssettag $0x1  }
0x1: {  	s4 =	rddreg [dreg:$0x0]  }
0x2: {  	s7 =	rddreg [dreg:$0x1]  }
0x3: {  	s0 =	srdreg.scid;
	s11 =	stileid.u32  }
0x4: {  	s1 =	rddreg [dreg:$0x2];
	s2 =	simm.s32 $0x0;
	s16 =	simm.s32 $0x6800  }
0x5: {  	s17 =	simm.s32 $0x50;
	s18 =	simm.s32 $0x9000;
	s19 =	simm.s32 $0x2  }
0x6: {  	s20 =	simm.s32 $0x3;
	s21 =	simm.s32 $0x80;
	s22 =	simm.s32 $0x4  }
0x7: {  	s23 =	simm.s32 $0x3E00;
	s8 =	sand.u32 $0x1, s0;
	s0 =	rddreg [dreg:$0x3]  }
0x8: {  	s24 =	simm.s32 $0x400;
	s3 =	sshll.u32 s11, $0x1;
	[smem:$0x7FF] =	sst s2  }
0x9: {  	s10 =	sadd.s32 $0x9F2800, s4;
	s25 =	sshrl.u32 s11, $0x2;
	s29 =	smul.u32 $0x4E200, s11  }
0xa: {  	p0 =	sne.s32 s11, $0x0;
	s5 =	sor.u32 s8, s3;
	s6 =	smul.u32 $0x27200, s8  }
0xb: {  	_ =	strace $0x8000004A;
	s12 =	ssub.s32 $0x2, s8;
	s13 =	smul.u32 $0x13C00, s25  }
0xc: {  	s30 =	smul.u32 $0x27100, s8;
	s25 =	simm.s32 $0x0;
	s3 =	sshll.u32 s5, $0xB  }
0xd: {  	s26 =	sshll.u32 s5, $0x7;
	s14 =	sshrl.u32 s12, $0x1;
	s5 =	smul.u32 $0x27100, s5  }
0xe: {  	s31 =	sadd.s32 s29, s10;
	s9 =	sadd.s32 s3, s4;
	s3 =	sadd.s32 $0x1E800, s4  }
0xf: {  	s6 =	sadd.s32 s6, s4;
	s15 =	sand.u32 $0x380, s26;
	s12 =	ssub.s32 s12, s14  }
0x10: {  	s14 =	simm.s32 $0x4000;
	s4 =	sadd.s32 $0x9E2800, s9;
	s28 =	sor.u32 s13, s15  }
0x11: {  	s5 =	sadd.s32 s10, s5;
	s6 =	sadd.s32 $0x45A00, s6;
	s8 =	smax.u32 s12, $0x1  }
0x12: {  	s12 =	sadd.s32 s30, s31;
	s13 =	simm.s32 $0x5;
	s15 =	simm.s32 $0x1  }
0x13: {  	s9 =	sshrl.u32 s28, $0x3;
	s10 =	sadd.s32 $0xA00, s5;
	s11 =	sadd.s32 $0x1400, s12  }
0x14: {  	v0 =	vimm.f32 $0.0e+00;
	v1 =	vimm.f32 $1.000000000e+00;
	s12 =	sshrl.u32 @!p0 s1, $0x3;
	s7 =	sadd.s32 s7, s9;
	s9 =	sadd.s32 $0x500, s5  }
.LBB2_1:
0x15: {  	s26 =	simm.s32 @!p0 $0x1C05  }
0x16: {  	[spmem:s12], [sflag:s26] =	dma.local @!p0 [hbm:s3], $0x27200  }
0x17: {  	s26 =	simm.s32 @!p0 $0x5  }
0x18: {  	_ =	swait.ge @!p0 [sflag:s26], $0x27200  }
0x19: {  	[sflag:s26] =	ssyncset.done @!p0 $0x0  }
0x1a: {  	s28 =	simm.s32 $0x0;
	[sflag:s26] =	ssyncadd.s32 @!p0 $0xFFFD8E00;
	s26 =	simm.s32 $0x40  }
.LBB2_2:
0x1b: {  	p1 =	sne.s32 s26, $0x9C40;
	[tilespmem:s28+$0x9000] =	vst v0;
	s28 =	smov.u32 s26;
	s26 =	sadd.s32 $0x40, s26  }
.Ltmp0:
0x1c: {  	(pc) =	sbr.rel @p1 .LBB2_2-.Ltmp0, $2  }
0x1d: {  	_ =	sdelay $0x2  }
0x1e: {  	s28 =	sshra.s32 s28, $0x2  }
0x1f: {  	[tilespmem:s28+$0x9000] =	vst v0  }
0x20: {  	s26 =	simm.s32 $0x0;
	[bflag:$0x0] =	sbarrier.arrive $0xFFFF  }
0x21: {  	[tilespmem:s26], [sflag:$0x5] =	stream.linear.gather [hbm4b:s4+s26], $0x3E80, $0x38;
	[tilespmem:$0x1F080] =	vst v63  }
0x22: {  	_ =	swait.ge [sflag:s13], $0x3E80  }
0x23: {  	[sflag:s13] =	ssyncset.done $0x0  }
0x24: {  	[sflag:s13] =	ssyncadd.s32 $0xFFFFC180  }
0x25: {  	[tilespmem:s14], [sflag:$0x1] =	stream.linear.gather [hbm4b:s5+s26], $0x2800, $0x38;
	[tilespmem:$0x1F080] =	vst v63  }
0x26: {  	_ =	swait.ge [sflag:s15], $0x2800  }
0x27: {  	[sflag:s15] =	ssyncset.done $0x0  }
0x28: {  	[sflag:s15] =	ssyncadd.s32 $0xFFFFD800  }
0x29: {  	[tilespmem:s16], [sflag:$0x2] =	stream.linear.gather [hbm4b:s9+s26], $0x2800, $0x38;
	[tilespmem:$0x1F080] =	vst v63  }
0x2a: {  	_ = 	snop  }
0x2b: {  	[spmem:s1] =	stream.indirect.scatter.add.f32 [tilespmem:s14], [sflag:$0x3], $0x80, s26, s17, $0xb8;
	[tilespmem:$0x1F080] =	vst v63  }
0x2c: {  	v2 =	vld [tilespmem:$0x0];
	_ =	sdelay $0x7  }
0x2d: {  	[tilespmem:v2+s18+$0x0] =	vst.idx.add.f32.msk $0xffff, v1  }
0x2e: {  	v2 =	vld [tilespmem:$0x10];
	_ =	sdelay $0x7  }
0x2f: {  	[tilespmem:v2+s18+$0x0] =	vst.idx.add.f32.msk $0xffff, v1  }
0x30: {  	v2 =	vld [tilespmem:$0x20];
	_ =	sdelay $0x7  }
0x31: {  	[tilespmem:v2+s18+$0x0] =	vst.idx.add.f32.msk $0xffff, v1  }
0x32: {  	v2 =	vld [tilespmem:$0x30];
	_ =	sdelay $0x7  }
0x33: {  	[tilespmem:v2+s18+$0x0] =	vst.idx.add.f32.msk $0xffff, v1  }
0x34: {  	v2 =	vld [tilespmem:$0x40];
	_ =	sdelay $0x7  }
0x35: {  	[tilespmem:v2+s18+$0x0] =	vst.idx.add.f32.msk $0xffff, v1  }
0x36: {  	_ =	swait.ge [sflag:s19], $0x2800  }
0x37: {  	[sflag:s19] =	ssyncset.done $0x0  }
0x38: {  	[sflag:s19] =	ssyncadd.s32 $0xFFFFD800  }
0x39: {  	_ =	swait.ge [sflag:s20], $0x2800  }
0x3a: {  	[sflag:s20] =	ssyncset.done $0x0  }
0x3b: {  	[sflag:s20] =	ssyncadd.s32 $0xFFFFD800  }
0x3c: {  	[tilespmem:s14], [sflag:$0x1] =	stream.linear.gather [hbm4b:s10+s26], $0x2800, $0x38;
	[tilespmem:$0x1F080] =	vst v63  }
0x3d: {  	_ = 	snop  }
0x3e: {  	[spmem:s1] =	stream.indirect.scatter.add.f32 [tilespmem:s16], [sflag:$0x4], $0x80, s21, s17, $0xb8;
	[tilespmem:$0x1F080] =	vst v63  }
0x3f: {  	v2 =	vld [tilespmem:$0x80];
	_ =	sdelay $0x7  }
0x40: {  	[tilespmem:v2+s18+$0x0] =	vst.idx.add.f32.msk $0xffff, v1  }
0x41: {  	v2 =	vld [tilespmem:$0x90];
	_ =	sdelay $0x7  }
0x42: {  	[tilespmem:v2+s18+$0x0] =	vst.idx.add.f32.msk $0xffff, v1  }
0x43: {  	v2 =	vld [tilespmem:$0xA0];
	_ =	sdelay $0x7  }
0x44: {  	[tilespmem:v2+s18+$0x0] =	vst.idx.add.f32.msk $0xffff, v1  }
0x45: {  	v2 =	vld [tilespmem:$0xB0];
	_ =	sdelay $0x7  }
0x46: {  	[tilespmem:v2+s18+$0x0] =	vst.idx.add.f32.msk $0xffff, v1  }
0x47: {  	v2 =	vld [tilespmem:$0xC0];
	_ =	sdelay $0x7  }
0x48: {  	s28 =	smov.u32 s11;
	[tilespmem:v2+s18+$0x0] =	vst.idx.add.f32.msk $0xffff, v1  }
.LBB2_4:
0x49: {  	_ =	swait.ge [sflag:s15], $0x2800  }
0x4a: {  	[sflag:s15] =	ssyncset.done $0x0  }
0x4b: {  	[sflag:s15] =	ssyncadd.s32 $0xFFFFD800  }
0x4c: {  	_ =	swait.ge [sflag:s22], $0x2800  }
0x4d: {  	[sflag:s22] =	ssyncset.done $0x0  }
0x4e: {  	s29 =	sadd.s32 $0xFFFFFB00, s28;
	[sflag:s22] =	ssyncadd.s32 $0xFFFFD800  }
0x4f: {  	[tilespmem:s16], [sflag:$0x2] =	stream.linear.gather [hbm4b:s29+s2], $0x2800, $0x38;
	[tilespmem:$0x1F080] =	vst v63  }
0x50: {  	s29 =	sshra.s32 s26, $0x2  }
0x51: {  	s30 =	sadd.s32 $0x100, s29  }
0x52: {  	[spmem:s1] =	stream.indirect.scatter.add.f32 [tilespmem:s14], [sflag:$0x3], $0x80, s30, s17, $0xb8;
	[tilespmem:$0x1F080] =	vst v63  }
0x53: {  	v2 =	vld [tilespmem:s29+$0x100];
	_ =	sdelay $0x7  }
0x54: {  	[tilespmem:v2+s18+$0x0] =	vst.idx.add.f32.msk $0xffff, v1  }
0x55: {  	v2 =	vld [tilespmem:s29+$0x110];
	_ =	sdelay $0x7  }
0x56: {  	[tilespmem:v2+s18+$0x0] =	vst.idx.add.f32.msk $0xffff, v1  }
0x57: {  	v2 =	vld [tilespmem:s29+$0x120];
	_ =	sdelay $0x7  }
0x58: {  	[tilespmem:v2+s18+$0x0] =	vst.idx.add.f32.msk $0xffff, v1  }
0x59: {  	v2 =	vld [tilespmem:s29+$0x130];
	_ =	sdelay $0x7  }
0x5a: {  	[tilespmem:v2+s18+$0x0] =	vst.idx.add.f32.msk $0xffff, v1  }
0x5b: {  	v2 =	vld [tilespmem:s29+$0x140];
	_ =	sdelay $0x7  }
0x5c: {  	[tilespmem:v2+s18+$0x0] =	vst.idx.add.f32.msk $0xffff, v1  }
0x5d: {  	_ =	swait.ge [sflag:s19], $0x2800  }
0x5e: {  	[sflag:s19] =	ssyncset.done $0x0  }
0x5f: {  	[sflag:s19] =	ssyncadd.s32 $0xFFFFD800  }
0x60: {  	_ =	swait.ge [sflag:s20], $0x2800  }
0x61: {  	[sflag:s20] =	ssyncset.done $0x0  }
0x62: {  	[sflag:s20] =	ssyncadd.s32 $0xFFFFD800  }
0x63: {  	[tilespmem:s14], [sflag:$0x1] =	stream.linear.gather [hbm4b:s28+s2], $0x2800, $0x38;
	[tilespmem:$0x1F080] =	vst v63  }
0x64: {  	s31 =	sadd.s32 $0x180, s29  }
0x65: {  	[spmem:s1] =	stream.indirect.scatter.add.f32 [tilespmem:s16], [sflag:$0x4], $0x80, s31, s17, $0xb8;
	[tilespmem:$0x1F080] =	vst v63  }
0x66: {  	v2 =	vld [tilespmem:s29+$0x180];
	_ =	sdelay $0x7  }
0x67: {  	[tilespmem:v2+s18+$0x0] =	vst.idx.add.f32.msk $0xffff, v1  }
0x68: {  	v2 =	vld [tilespmem:s29+$0x190];
	_ =	sdelay $0x7  }
0x69: {  	[tilespmem:v2+s18+$0x0] =	vst.idx.add.f32.msk $0xffff, v1  }
0x6a: {  	v2 =	vld [tilespmem:s29+$0x1A0];
	_ =	sdelay $0x7  }
0x6b: {  	[tilespmem:v2+s18+$0x0] =	vst.idx.add.f32.msk $0xffff, v1  }
0x6c: {  	v2 =	vld [tilespmem:s29+$0x1B0];
	_ =	sdelay $0x7  }
0x6d: {  	[tilespmem:v2+s18+$0x0] =	vst.idx.add.f32.msk $0xffff, v1  }
0x6e: {  	v2 =	vld [tilespmem:s29+$0x1C0];
	_ =	sdelay $0x2  }
0x6f: {  	p1 =	sne.s32 s26, $0xF000  }
.Ltmp1:
0x70: {  	_ = 	snop;
	(pc) =	sbr.rel @p1 .LBB2_4-.Ltmp1, $2  }
0x71: {  	_ =	sdelay $0x2  }
0x72: {  	s26 =	sadd.s32 $0x400, s26;
	s28 =	sadd.s32 $0xA00, s28;
	[tilespmem:v2+s18+$0x0] =	vst.idx.add.f32.msk $0xffff, v1  }
0x73: {  	_ =	swait.ge [sflag:s15], $0x2800  }
0x74: {  	[sflag:s15] =	ssyncset.done $0x0  }
0x75: {  	[sflag:s15] =	ssyncadd.s32 $0xFFFFD800  }
0x76: {  	[spmem:s1] =	stream.indirect.scatter.add.f32 [tilespmem:s14], [sflag:$0x3], $0x80, s23, s17, $0xb8;
	[tilespmem:$0x1F080] =	vst v63  }
0x77: {  	v2 =	vld [tilespmem:$0x3E00];
	_ =	sdelay $0x7  }
0x78: {  	[tilespmem:v2+s18+$0x0] =	vst.idx.add.f32.msk $0xffff, v1  }
0x79: {  	v2 =	vld [tilespmem:$0x3E10];
	_ =	sdelay $0x7  }
0x7a: {  	[tilespmem:v2+s18+$0x0] =	vst.idx.add.f32.msk $0xffff, v1  }
0x7b: {  	v2 =	vld [tilespmem:$0x3E20];
	_ =	sdelay $0x7  }
0x7c: {  	[tilespmem:v2+s18+$0x0] =	vst.idx.add.f32.msk $0xffff, v1  }
0x7d: {  	v2 =	vld [tilespmem:$0x3E30];
	_ =	sdelay $0x7  }
0x7e: {  	[tilespmem:v2+s18+$0x0] =	vst.idx.add.f32.msk $0xffff, v1  }
0x7f: {  	v2 =	vld [tilespmem:$0x3E40];
	_ =	sdelay $0x7  }
0x80: {  	[tilespmem:v2+s18+$0x0] =	vst.idx.add.f32.msk $0xffff, v1  }
0x81: {  	_ =	swait.ge [sflag:s22], $0x2800  }
0x82: {  	[sflag:s22] =	ssyncset.done $0x0  }
0x83: {  	[sflag:s22] =	ssyncadd.s32 $0xFFFFD800  }
0x84: {  	_ =	swait.ge [sflag:s20], $0x2800  }
0x85: {  	[sflag:s20] =	ssyncset.done $0x0  }
0x86: {  	[sflag:s20] =	ssyncadd.s32 $0xFFFFD800  }
0x87: {  	s26 =	simm.s32 @!p0 $0x1C05;
	[bflag:$0x0] =	sbarrier.arrive $0xFFFF  }
0x88: {  	[hbm:s6], [sflag:s26] =	dma.local @!p0 [spmem:s12], $0x27200  }
0x89: {  	s26 =	simm.s32 @!p0 $0x5  }
0x8a: {  	s25 =	sadd.s32 $0x1, s25;
	_ =	swait.ge @!p0 [sflag:s26], $0x27200  }
0x8b: {  	p1 =	sne.s32 s25, s8;
	[sflag:s26] =	ssyncset.done @!p0 $0x0  }
.Ltmp2:
0x8c: {  	[sflag:s26] =	ssyncadd.s32 @!p0 $0xFFFD8E00;
	(pc) =	sbr.rel @p1 .LBB2_1-.Ltmp2, $4  }
0x8d: {  	[hbm4b:s7+s21] =	stream.strided.scatter [tilespmem:s18], [sflag:$0x5], $0x2780, s24, s21, $0x38;
	[tilespmem:$0x1F080] =	vst v63  }
0x8e: {  	_ =	swait.ge [sflag:s13], $0x2780  }
0x8f: {  	[sflag:s13] =	ssyncset.done $0x0  }
0x90: {  	[sflag:s13] =	ssyncadd.s32 $0xFFFFD880  }
0x91: {  	_ =	sfence.sel $0x180000  }
0x92: {  	[bflag:$0x0] =	sbarrier.arrive $0xFFFF  }
0x93: {  	_ =	strace $0x9000004A  }
0x94: {  	s0 =	sadd.s32 @!p0 $0x100000, s0;
	[bflag:$0x2] =	sbarrier.arrive $0xFFFF  }
0x95: {  	[sflag:s0] =	ssyncadd.tile.s32 @!p0 $0x1;
	_ =	shalt  }
.Lfunc_end2:
_tile_overlayer_lowered:
.L_overlay_start_2:
0x96: {  	(tag) =	ssettag $0x2  }
0x97: {  	s0 =	rddreg [dreg:$0x0];
	s2 =	stileid.u32  }
0x98: {  	s1 =	rddreg [dreg:$0x1];
	p0 =	sne.s32 s2, $0x0  }
0x99: {  	s3 =	rddreg [dreg:$0x2];
	[bflag:$0x3] =	sbarrier.arrive $0xFFFF;
	s2 =	simm.s32 @!p0 $0x1C05  }
0x9a: {  	[timem:s3], [sflag:s2] =	dma.local @!p0 [hbm:s0], s1  }
0x9b: {  	s0 =	simm.s32 @!p0 $0x5  }
0x9c: {  	_ =	swait.ge @!p0 [sflag:s0], s1  }
0x9d: {  	s1 =	ssub.s32 @!p0 $0x0, s1;
	[sflag:s0] =	ssyncset.done @!p0 $0x0  }
0x9e: {  	[sflag:s0] =	ssyncadd.s32 @!p0 s1  }
0x9f: {  	[bflag:$0x3] =	sbarrier.arrive $0xFFFF  }
0xa0: {  	_ =	shalt  }

// kernel: kernel.9.cloned.1.call-start
scs
__scs_entry_jumppad:
0x0: {  	(pc) =	sbr.rel $0x88, $3  }
0x1: {  	(tag) =	ssettag $0x0;
	lr =	simm.s32 $0x1  }
0x2: {  	[smem:$0x3F92] =	sst lr;
	_ =	strace $0xD0000000  }
0x3: {  	_ = 	snop  }
0x4: {  	_ = 	snop  }
0x5: {  	_ = 	snop  }
0x6: {  	_ = 	snop  }
0x7: {  	_ = 	snop  }
__scs_overlays_trampoline_lowered:
0x8: {  	[smem:$0x3FA1] =	sst s0  }
0x9: {  	[smem:$0x3FA2] =	sst s1  }
0xa: {  	[smem:$0x3FA3] =	sst s2  }
0xb: {  	[smem:$0x3FA4] =	sst s3  }
0xc: {  	[smem:$0x3FA5] =	sst s4  }
0xd: {  	[smem:$0x3FA6] =	sst s5  }
0xe: {  	[smem:$0x3FA7] =	sst s6  }
0xf: {  	[smem:$0x3FA8] =	sst s7  }
0x10: {  	[smem:$0x3FA9] =	sst s8  }
0x11: {  	[smem:$0x3FAA] =	sst s9;
	s0 =	simm.s32 @!p0 $0x0  }
0x12: {  	s1 =	sld [smem:$0x3F90];
	s0 =	simm.s32 @p0 $0x1  }
0x13: {  	[smem:$0x3FAB] =	sst s0;
	s0 =	simm.s32 @!p1 $0x0  }
0x14: {  	s2 =	sld [smem:$0x3F8F];
	s0 =	simm.s32 @p1 $0x1  }
0x15: {  	[smem:$0x3FAC] =	sst s0;
	s0 =	simm.s32 @!p2 $0x0  }
0x16: {  	s3 =	sld [smem:$0x3FDB];
	s0 =	simm.s32 @p2 $0x1  }
0x17: {  	s4 =	simm.s32 $0x1BF5;
	[smem:$0x3FAE] =	sst s0  }
0x18: {  	s0 =	sld [smem:$0x3F91];
	_ =	swait.ge [sflag:s4], $0x0  }
0x19: {  	s7 =	sld [smem:$0x3F92]  }
0x1a: {  	s8 =	sadd.s32 $0xFFFFE003, lr  }
0x1b: {  	s9 =	sadd.s32 $0xFFFFFEF7, lr;
	s5 =	simm.s32 $0xFFFFFFFF;
	p2 =	slt.u32 s8, $0xFFFFF086  }
0x1c: {  	p1 =	slt.u32 s9, $0xF7A;
	s5 =	simm.s32 @!p2 $0x0  }
0x1d: {  	s5 =	simm.s32 @p1 $0x1;
	p0 =	seq.s32 s7, s2  }
0x1e: {  	s7 =	smul.u32 @!p0 $0xF7A, s2;
	p2 =	seq.s32 @!p0 s5, $0x0  }
0x1f: {  	s9 =	smul.u32 $0xF7A, s1;
	s8 =	simm.s32 @!p0 $0x1BF5;
	p2 =	por !p2, p0  }
0x20: {  	[sflag:s8] =	ssyncset.s32 @!p0 $0xFFFFF086;
	s6 =	sadd.s32 @!p0 s3, s7;
	s7 =	simm.s32 @!p0 $0x108  }
0x21: {  	s3 =	sadd.s32 s3, s9;
	s6 =	sadd.s32 @!p0 $0x88, s6;
	s7 =	simm.s32 @p2 $0x1082  }
0x22: {  	[simem:s7], [sflag:s8] =	dma.local @!p0 [hbm:s6], $0xF7A  }
0x23: {  	s9 =	sor.u32 $0xD0000000, s2;
	s6 =	simm.s32 $0x108;
	_ =	swait.ge @!p0 [sflag:s8], $0x0  }
0x24: {  	s3 =	sadd.s32 $0x88, s3;
	s6 =	simm.s32 @!p1 $0x1082;
	[sflag:s4] =	ssyncset.s32 $0xFFFFF086  }
0x25: {  	[simem:s6], [sflag:s4] =	dma.local [hbm:s3], $0xF7A  }
0x26: {  	[smem:$0x3F92] =	sst s1;
	(tag) =	ssettag s2;
	_ =	strace s9  }
0x27: {  	s1 =	sld [smem:$0x3FA2]  }
0x28: {  	s2 =	sld [smem:$0x3FA3]  }
0x29: {  	s4 =	sld [smem:$0x3FA5]  }
0x2a: {  	p0 =	seq.s32 s5, $0x0;
	s5 =	sld [smem:$0x3FA6]  }
0x2b: {  	s6 =	sld [smem:$0x3FA7]  }
0x2c: {  	s7 =	sld [smem:$0x3FA8]  }
0x2d: {  	s3 =	simm.s32 $0x108;
	s8 =	sld [smem:$0x3FA9]  }
0x2e: {  	s3 =	simm.s32 @!p0 $0x1082;
	s9 =	sld [smem:$0x3FAA]  }
0x2f: {  	lr =	sadd.s32 s0, s3;
	s0 =	sld [smem:$0x3FA1]  }
0x30: {  	s3 =	sld [smem:$0x3FA4]  }
0x31: {  	[smem:$0x3FAD] =	sst s10  }
0x32: {  	s10 =	sld [smem:$0x3FAB];
	_ =	sdelay $0x3  }
0x33: {  	p0 =	seq.s32 s10, $0x1;
	s10 =	sld [smem:$0x3FAD];
	_ =	sdelay $0x3  }
0x34: {  	[smem:$0x3FAD] =	sst s10  }
0x35: {  	s10 =	sld [smem:$0x3FAC];
	_ =	sdelay $0x3  }
0x36: {  	p1 =	seq.s32 s10, $0x1;
	s10 =	sld [smem:$0x3FAD];
	_ =	sdelay $0x3  }
0x37: {  	[smem:$0x3FAD] =	sst s10  }
0x38: {  	s10 =	sld [smem:$0x3FAE]  }
0x39: {  	_ = 	snop;
	(pc) =	sbr.ind lr, $3  }
0x3a: {  	_ = 	snop  }
0x3b: {  	_ = 	snop  }
0x3c: {  	p2 =	seq.s32 s10, $0x1;
	s10 =	sld [smem:$0x3FAD]  }
0x3d: {  	_ =	shalt  }
0x3e: {  	_ =	shalt  }
0x3f: {  	_ =	shalt  }
0x40: {  	_ =	shalt  }
0x41: {  	_ =	shalt  }
0x42: {  	_ =	shalt  }
0x43: {  	_ =	shalt  }
0x44: {  	_ =	shalt  }
0x45: {  	_ =	shalt  }
0x46: {  	_ =	shalt  }
0x47: {  	_ =	shalt  }
0x48: {  	_ =	shalt  }
0x49: {  	_ =	shalt  }
0x4a: {  	_ =	shalt  }
0x4b: {  	_ =	shalt  }
0x4c: {  	_ =	shalt  }
0x4d: {  	_ =	shalt  }
0x4e: {  	_ =	shalt  }
0x4f: {  	_ =	shalt  }
0x50: {  	_ =	shalt  }
0x51: {  	_ =	shalt  }
0x52: {  	_ =	shalt  }
0x53: {  	_ =	shalt  }
0x54: {  	_ =	shalt  }
0x55: {  	_ =	shalt  }
0x56: {  	_ =	shalt  }
0x57: {  	_ =	shalt  }
0x58: {  	_ =	shalt  }
0x59: {  	_ =	shalt  }
0x5a: {  	_ =	shalt  }
0x5b: {  	_ =	shalt  }
0x5c: {  	_ =	shalt  }
0x5d: {  	_ =	shalt  }
0x5e: {  	_ =	shalt  }
0x5f: {  	_ =	shalt  }
0x60: {  	_ =	shalt  }
0x61: {  	_ =	shalt  }
0x62: {  	_ =	shalt  }
0x63: {  	_ =	shalt  }
0x64: {  	_ =	shalt  }
0x65: {  	_ =	shalt  }
0x66: {  	_ =	shalt  }
0x67: {  	_ =	shalt  }
0x68: {  	_ =	shalt  }
0x69: {  	_ =	shalt  }
0x6a: {  	_ =	shalt  }
0x6b: {  	_ =	shalt  }
0x6c: {  	_ =	shalt  }
0x6d: {  	_ =	shalt  }
0x6e: {  	_ =	shalt  }
0x6f: {  	_ =	shalt  }
0x70: {  	_ =	shalt  }
0x71: {  	_ =	shalt  }
0x72: {  	_ =	shalt  }
0x73: {  	_ =	shalt  }
0x74: {  	_ =	shalt  }
0x75: {  	_ =	shalt  }
0x76: {  	_ =	shalt  }
0x77: {  	_ =	shalt  }
0x78: {  	_ =	shalt  }
0x79: {  	_ =	shalt  }
0x7a: {  	_ =	shalt  }
0x7b: {  	_ =	shalt  }
0x7c: {  	_ =	shalt  }
0x7d: {  	_ =	shalt  }
0x7e: {  	_ =	shalt  }
0x7f: {  	_ =	shalt  }
0x80: {  	_ =	shalt  }
0x81: {  	_ =	shalt  }
0x82: {  	_ =	shalt  }
0x83: {  	_ =	shalt  }
0x84: {  	_ =	shalt  }
0x85: {  	_ =	shalt  }
0x86: {  	_ =	shalt  }
0x87: {  	_ =	shalt  }
.Lfunc_end0:
.L_simem_size_0:
called_computation_lowered:
.L_overlay_start_0:
0x88: {  	s2 =	sld [smem:$0x3FD9]  }
0x89: {  	s3 =	sld [smem:$0x3FFE];
	_ =	sdelay $0x1  }
0x8a: {  	s1 =	srdreg.scid  }
0x8b: {  	s0 =	sand.u32 $0x1, s1  }
0x8c: {  	s17 =	sshll.u32 s0, $0xA;
	s2 =	sadd.s32 s3, s2  }
0x8d: {  	s2 =	sadd.s32 s2, s17  }
0x8e: {  	[smem:$0x3FB9] =	sst s2  }
0x8f: {  	_ = 	snop  }
0x90: {  	s2 =	sld [smem:$0x3FD0];
	(tm) =	ssettm $0x1  }
0x91: {  	s18 =	sld [smem:$0x3FFB];
	_ =	sdelay $0x3  }
0x92: {  	_ =	strace s18  }
0x93: {  	s3 =	sld [smem:$0x3FFC];
	_ =	sdelay $0x3  }
0x94: {  	_ =	strace s3  }
0x95: {  	s3 =	sld [smem:$0x3FFD];
	_ =	sdelay $0x3  }
0x96: {  	_ =	strace s3  }
0x97: {  	_ =	strace $0x8FFFFFFF  }
0x98: {  	s19 =	sld [smem:$0x3FDB];
	_ =	sdelay $0x1  }
0x99: {  	s4 =	simm.s32 $_scs_section_size  }
0x9a: {  	s5 =	simm.s32 $_size__tile_overlayer_lowered;
	s6 =	simm.s32 $_tile_overlayer_lowered  }
0x9b: {  	s22 =	simm.s32 $0x1BFF;
	s21 =	sshll.u32 s6, $0x1;
	s3 =	sadd.s32 s4, s19  }
0x9c: {  	s7 =	simm.s32 $0x0;
	s20 =	sshll.u32 s5, $0x1;
	s5 =	sadd.s32 s21, s3  }
0x9d: {  	[timem:s7], [sflag:s22] =	dma.local [hbm:s5], s20  }
0x9e: {  	_ =	swait.ge [sflag:s22], s20  }
0x9f: {  	s4 =	ssub.s32 $0x0, s20;
	[sflag:s22] =	ssyncset.done $0x0  }
0xa0: {  	[sflag:s22] =	ssyncadd.s32 s4;
	_ =	sdelay $0x1  }
0xa1: {  	s23 =	simm.s32 $0x1B8B  }
0xa2: {  	_ =	swait.ge [sflag:s23], $0x1  }
0xa3: {  	[sflag:s23] =	ssyncset.done $0x0  }
0xa4: {  	s25 =	simm.s32 $0x1B8E;
	s24 =	sld [smem:$0x3FFE];
	[sflag:s23] =	ssyncadd.s32 $0xFFFFFFFF  }
0xa5: {  	s26 =	simm.s32 $execute0_lowered;
	[smem:$0x3FD2] =	sst s25  }
0xa6: {  	s5 =	sshll.u32 s26, $0x1;
	_ =	strace $0x80000046;
	[dreg:$0x1] =	wrdreg $0xFFFFFFFF  }
0xa7: {  	s28 =	simm.s32 $_size_execute0_lowered;
	s3 =	sadd.s32 s3, s5;
	[dreg:$0x0] =	wrdreg $0x0  }
0xa8: {  	s5 =	sshll.u32 s28, $0x1;
	[dreg:$0x2] =	wrdreg s3  }
0xa9: {  	[dreg:$0x3] =	wrdreg s5  }
0xaa: {  	[dreg:$0x4] =	wrdreg $0xC0  }
0xab: {  	_ =	task [dreg:s7], $0x5FFFF  }
0xac: {  	[dreg:$0x1] =	wrdreg $0xFFFFFFFF  }
0xad: {  	[dreg:$0x0] =	wrdreg $0x60  }
0xae: {  	[dreg:$0x2] =	wrdreg s2  }
0xaf: {  	[dreg:$0x3] =	wrdreg s24  }
0xb0: {  	[dreg:$0x4] =	wrdreg $0xB8000  }
0xb1: {  	[dreg:$0x5] =	wrdreg $0x9  }
0xb2: {  	_ =	task.clear_ibuf [dreg:s7], $0x6FFFF;
	_ =	strace $0x90000046  }
0xb3: {  	s29 =	simm.s32 $0x9;
	_ =	strace $0x80000048  }
0xb4: {  	_ =	swait.ge [sflag:s29], $0x1  }
0xb5: {  	[sflag:s29] =	ssyncadd.s32 $0xFFFFFFFF  }
0xb6: {  	_ =	strace $0x90000048  }
0xb7: {  	_ =	sfence  }
0xb8: {  	s30 =	sld [smem:$0x0];
	_ =	sdelay $0x2  }
0xb9: {  	s31 =	sshll.u32 s1, $0xD;
	s1 =	sshrl.u32 s1, $0x2  }
0xba: {  	s3 =	sand.u32 $0x4000, s31;
	s1 =	sadd.s32 s1, s30  }
0xbb: {  	s0 =	sor.u32 s3, s0;
	s1 =	sshll.u32 s1, $0x11  }
0xbc: {  	s0 =	sor.u32 s1, s0  }
0xbd: {  	s0 =	sadd.s32 $0x8F2B, s0  }
0xbe: {  	[sflag:s0] =	ssyncadd.remote.s32 $0x1  }
0xbf: {  	_ =	sfence.sel $0xFFFF  }
0xc0: {  	[dreg:$0x0] =	wrdreg $0xFFFFFFFF;
	(pc) =	sbr.abs _section_cstart, $3  }
0xc1: {  	[dreg:$0x1] =	wrdreg $0xFFFFFFFF  }
0xc2: {  	_ =	task.clear_ibuf [dreg:s7], $0x2FFFF;
	_ =	strace $0x9FFFFFFF  }
0xc3: {  	(tm) =	ssettm $0x7FFFFFFF  }
tec
execute0_lowered:
.L_overlay_start_1:
0x0: {  	(tag) =	ssettag $0x1  }
0x1: {  	s0 =	rddreg [dreg:$0x0]  }
0x2: {  	s4 =	rddreg [dreg:$0x1];
	s1 =	srdreg.scid  }
0x3: {  	s8 =	stileid.u32;
	s2 =	rddreg [dreg:$0x2];
	s3 =	simm.s32 $0x0  }
0x4: {  	s12 =	simm.s32 $0x50;
	s13 =	simm.s32 $0x4000;
	s14 =	simm.s32 $0x1  }
0x5: {  	s15 =	simm.s32 $0x80;
	s16 =	simm.s32 $0x6800;
	s17 =	simm.s32 $0x2  }
0x6: {  	s18 =	simm.s32 $0x100;
	s19 =	simm.s32 $0x9000;
	s20 =	simm.s32 $0x3  }
0x7: {  	s21 =	simm.s32 $0x4;
	s22 =	simm.s32 $0x180;
	s23 =	simm.s32 $0x5  }
0x8: {  	s24 =	simm.s32 $0x6;
	s25 =	simm.s32 $0x0;
	s7 =	sand.u32 $0x1, s1  }
0x9: {  	s5 =	sshll.u32 s8, $0x1;
	[smem:$0x7FF] =	sst s3;
	s10 =	sadd.s32 $0x1E800, s4  }
0xa: {  	s30 =	smul.u32 $0x4E200, s8;
	p0 =	sne.s32 s8, $0x0;
	s5 =	sor.u32 s7, s5  }
0xb: {  	_ =	strace $0x80000047;
	s9 =	ssub.s32 $0x2, s7;
	s31 =	smul.u32 $0x27100, s7  }
.Ltmp0:
0xc: {  	s6 =	sshll.u32 s5, $0xB;
	s28 =	sshrl.u32 s9, $0x1;
	(pc) =	sbr.rel .LBB2_1-.Ltmp0, $4  }
0xd: {  	s11 =	smul.u32 $0x27100, s5;
	s6 =	sadd.s32 s6, s4;
	s29 =	ssub.s32 s9, s28  }
0xe: {  	s9 =	sadd.s32 s30, s10;
	s4 =	sadd.s32 $0xDC00, s6;
	s5 =	smax.u32 s29, $0x1  }
0xf: {  	s6 =	sadd.s32 s10, s11;
	s9 =	sadd.s32 s31, s9;
	s10 =	sshrl.u32 @!p0 s2, $0x3  }
0x10: {  	s11 =	simm.s32 $0x7;
	s7 =	sadd.s32 $0x500, s6;
	s8 =	sadd.s32 $0xA00, s6  }
.LBB2_4:
0x11: {  	_ =	swait.ge [sflag:s24], $0x2800  }
0x12: {  	[sflag:s24] =	ssyncset.done $0x0  }
0x13: {  	s25 =	sadd.s32 $0x1, s25;
	[sflag:s24] =	ssyncadd.s32 $0xFFFFD800  }
0x14: {  	p1 =	sne.s32 s25, s5;
	_ =	swait.ge [sflag:s21], $0x2800  }
.Ltmp1:
0x15: {  	[sflag:s21] =	ssyncset.done $0x0;
	(pc) =	sbr.rel @!p1 .LBB2_5-.Ltmp1, $4  }
0x16: {  	[sflag:s21] =	ssyncadd.s32 $0xFFFFD800  }
0x17: {  	_ =	swait.ge [sflag:s23], $0x2800  }
0x18: {  	[sflag:s23] =	ssyncset.done $0x0  }
0x19: {  	[sflag:s23] =	ssyncadd.s32 $0xFFFFD800  }
.LBB2_1:
0x1a: {  	s26 =	simm.s32 @!p0 $0x1C07  }
0x1b: {  	[spmem:s10], [sflag:s26] =	dma.local @!p0 [hbm:s0], $0x27100  }
0x1c: {  	s26 =	simm.s32 @!p0 $0x7  }
0x1d: {  	_ =	swait.ge @!p0 [sflag:s26], $0x27100  }
0x1e: {  	[sflag:s26] =	ssyncset.done @!p0 $0x0  }
0x1f: {  	[sflag:s26] =	ssyncadd.s32 @!p0 $0xFFFD8F00  }
0x20: {  	[bflag:$0x0] =	sbarrier.arrive $0xFFFF  }
0x21: {  	[tilespmem:s3], [sflag:$0x7] =	stream.linear.gather [hbm4b:s4+s3], $0x3E80, $0x38;
	[tilespmem:$0x1F080] =	vst v63  }
0x22: {  	_ =	swait.ge [sflag:s11], $0x3E80  }
0x23: {  	[sflag:s11] =	ssyncset.done $0x0  }
0x24: {  	[sflag:s11] =	ssyncadd.s32 $0xFFFFC180  }
0x25: {  	[tilespmem:s13], [sflag:$0x1] =	stream.indirect.gather [spmem:s2], $0x80, s3, s12, $0xb8;
	[tilespmem:$0x1F080] =	vst v63  }
0x26: {  	_ =	swait.ge [sflag:s14], $0x2800  }
0x27: {  	[sflag:s14] =	ssyncset.done $0x0  }
0x28: {  	[sflag:s14] =	ssyncadd.s32 $0xFFFFD800  }
0x29: {  	[tilespmem:s16], [sflag:$0x2] =	stream.indirect.gather [spmem:s2], $0x80, s15, s12, $0xb8;
	[tilespmem:$0x1F080] =	vst v63  }
0x2a: {  	_ = 	snop  }
0x2b: {  	[hbm4b:s6+s3] =	stream.linear.scatter [tilespmem:s13], [sflag:$0x4], $0x2800, $0x38;
	[tilespmem:$0x1F080] =	vst v63  }
0x2c: {  	_ =	swait.ge [sflag:s17], $0x2800  }
0x2d: {  	[sflag:s17] =	ssyncset.done $0x0  }
0x2e: {  	[sflag:s17] =	ssyncadd.s32 $0xFFFFD800  }
0x2f: {  	[tilespmem:s19], [sflag:$0x3] =	stream.indirect.gather [spmem:s2], $0x80, s18, s12, $0xb8;
	[tilespmem:$0x1F080] =	vst v63  }
0x30: {  	_ = 	snop  }
0x31: {  	[hbm4b:s7+s3] =	stream.linear.scatter [tilespmem:s16], [sflag:$0x5], $0x2800, $0x38;
	[tilespmem:$0x1F080] =	vst v63  }
0x32: {  	_ =	swait.ge [sflag:s20], $0x2800  }
0x33: {  	[sflag:s20] =	ssyncset.done $0x0  }
0x34: {  	[sflag:s20] =	ssyncadd.s32 $0xFFFFD800  }
0x35: {  	_ =	swait.ge [sflag:s21], $0x2800  }
0x36: {  	[sflag:s21] =	ssyncset.done $0x0  }
0x37: {  	[sflag:s21] =	ssyncadd.s32 $0xFFFFD800  }
0x38: {  	[tilespmem:s13], [sflag:$0x1] =	stream.indirect.gather [spmem:s2], $0x80, s22, s12, $0xb8;
	[tilespmem:$0x1F080] =	vst v63  }
0x39: {  	s28 =	simm.s32 $0x0;
	s26 =	simm.s32 $0x300  }
0x3a: {  	[hbm4b:s8+s3] =	stream.linear.scatter [tilespmem:s19], [sflag:$0x6], $0x2800, $0x38;
	[tilespmem:$0x1F080] =	vst v63  }
.LBB2_2:
0x3b: {  	_ =	swait.ge [sflag:s14], $0x2800  }
0x3c: {  	[sflag:s14] =	ssyncset.done $0x0  }
0x3d: {  	[sflag:s14] =	ssyncadd.s32 $0xFFFFD800  }
0x3e: {  	_ =	swait.ge [sflag:s23], $0x2800  }
0x3f: {  	[sflag:s23] =	ssyncset.done $0x0  }
0x40: {  	s29 =	sadd.s32 $0xFFFFFF00, s26;
	[sflag:s23] =	ssyncadd.s32 $0xFFFFD800  }
0x41: {  	[tilespmem:s16], [sflag:$0x2] =	stream.indirect.gather [spmem:s2], $0x80, s29, s12, $0xb8;
	[tilespmem:$0x1F080] =	vst v63  }
0x42: {  	s29 =	sadd.s32 s28, s9  }
0x43: {  	s30 =	sadd.s32 $0xF00, s29  }
0x44: {  	[hbm4b:s30+s3] =	stream.linear.scatter [tilespmem:s13], [sflag:$0x4], $0x2800, $0x38;
	[tilespmem:$0x1F080] =	vst v63  }
0x45: {  	_ =	swait.ge [sflag:s17], $0x2800  }
0x46: {  	p1 =	seq.s32 s28, $0x25800;
	[sflag:s17] =	ssyncset.done $0x0  }
0x47: {  	s30 =	simm.s32 @!p1 $0x6;
	[sflag:s17] =	ssyncadd.s32 $0xFFFFD800  }
0x48: {  	_ =	swait.ge @!p1 [sflag:s30], $0x2800  }
.Ltmp2:
0x49: {  	s31 =	simm.s32 @!p1 $0x50;
	[sflag:s30] =	ssyncset.done @!p1 $0x0;
	(pc) =	sbr.rel @p1 .LBB2_4-.Ltmp2, $4  }
0x4a: {  	s1 =	simm.s32 @!p1 $0x9000;
	[sflag:s30] =	ssyncadd.s32 @!p1 $0xFFFFD800;
	s30 =	sadd.s32 @!p1 $0xFFFFFF80, s26  }
0x4b: {  	[tilespmem:s1], [sflag:$0x3] =	stream.indirect.gather @!p1 [spmem:s2], $0x80, s30, s31, $0xb8;
	[tilespmem:$0x1F080] =	vst v63  }
0x4c: {  	s31 =	sadd.s32 $0x1400, s29  }
0x4d: {  	[hbm4b:s31+s3] =	stream.linear.scatter [tilespmem:s16], [sflag:$0x5], $0x2800, $0x38;
	[tilespmem:$0x1F080] =	vst v63  }
0x4e: {  	_ =	swait.ge [sflag:s20], $0x2800  }
0x4f: {  	[sflag:s20] =	ssyncset.done $0x0  }
0x50: {  	[sflag:s20] =	ssyncadd.s32 $0xFFFFD800  }
0x51: {  	_ =	swait.ge [sflag:s21], $0x2800  }
.Ltmp3:
0x52: {  	[sflag:s21] =	ssyncset.done $0x0;
	(pc) =	sbr.rel .LBB2_2-.Ltmp3, $4  }
0x53: {  	[sflag:s21] =	ssyncadd.s32 $0xFFFFD800  }
0x54: {  	[tilespmem:s13], [sflag:$0x1] =	stream.indirect.gather [spmem:s2], $0x80, s26, s12, $0xb8;
	[tilespmem:$0x1F080] =	vst v63  }
0x55: {  	s1 =	sadd.s32 $0x1900, s29;
	s28 =	sadd.s32 $0xF00, s28;
	s26 =	sadd.s32 $0x180, s26  }
0x56: {  	[hbm4b:s1+s3] =	stream.linear.scatter [tilespmem:s19], [sflag:$0x6], $0x2800, $0x38;
	[tilespmem:$0x1F080] =	vst v63  }
.LBB2_5:
0x57: {  	_ =	sfence.sel $0x180000  }
0x58: {  	[bflag:$0x0] =	sbarrier.arrive $0xFFFF  }
0x59: {  	_ =	strace $0x90000047  }
0x5a: {  	[bflag:$0x2] =	sbarrier.arrive $0xFFFF  }
0x5b: {  	s0 =	rddreg [dreg:$0x3]  }
0x5c: {  	s0 =	sadd.s32 @!p0 $0x100000, s0  }
0x5d: {  	[sflag:s0] =	ssyncadd.tile.s32 @!p0 $0x1;
	_ =	shalt  }
.Lfunc_end2:
_tile_overlayer_lowered:
.L_overlay_start_2:
0x5e: {  	(tag) =	ssettag $0x2  }
0x5f: {  	s0 =	rddreg [dreg:$0x0];
	s2 =	stileid.u32  }
0x60: {  	s1 =	rddreg [dreg:$0x1];
	p0 =	sne.s32 s2, $0x0  }
0x61: {  	s3 =	rddreg [dreg:$0x2];
	[bflag:$0x3] =	sbarrier.arrive $0xFFFF;
	s2 =	simm.s32 @!p0 $0x1C07  }
0x62: {  	[timem:s3], [sflag:s2] =	dma.local @!p0 [hbm:s0], s1  }
0x63: {  	s0 =	simm.s32 @!p0 $0x7  }
0x64: {  	_ =	swait.ge @!p0 [sflag:s0], s1  }
0x65: {  	s1 =	ssub.s32 @!p0 $0x0, s1;
	[sflag:s0] =	ssyncset.done @!p0 $0x0  }
0x66: {  	[sflag:s0] =	ssyncadd.s32 @!p0 s1  }
0x67: {  	[bflag:$0x3] =	sbarrier.arrive $0xFFFF  }
0x68: {  	_ =	shalt  }

</sc_bundles>
